<compile_context>
chip_gen: v7x
topology: tpu7x:2x2x1
jax: 0.10.2.dev20260603
libtpu: 0.0.44.dev20260713+nightly
codegen_flags: <defaults>
</compile_context>

<pallas_src>
import functools

import jax
import jax.numpy as jnp
from jax import lax
from jax.experimental import pallas as pl
from jax.experimental.pallas import tpu as pltpu
from jax.experimental.pallas import tpu_sc as plsc

EMBED = 64
NUM_CORES = 2
NUM_SUBCORES = 16
NUM_WORKERS = NUM_CORES * NUM_SUBCORES
NBUF = 4


def _make_gather(n_seq, seq_len):
    total = n_seq * seq_len
    chunk = seq_len
    assert total % (NUM_WORKERS * chunk) == 0 and chunk % 8 == 0
    per_worker = total // NUM_WORKERS
    num_chunks = per_worker // chunk
    assert num_chunks % NBUF == 0 and num_chunks > 2 * NBUF

    mesh = plsc.VectorSubcoreMesh(
        core_axis_name="c", subcore_axis_name="s",
        num_cores=NUM_CORES, num_subcores=NUM_SUBCORES)

    @functools.partial(
        pl.kernel,
        out_type=jax.ShapeDtypeStruct((n_seq, seq_len, EMBED), jnp.float32),
        mesh=mesh,
        compiler_params=pltpu.CompilerParams(use_tc_tiling_on_sc=False),
        scratch_types=[
            [pltpu.VMEM((chunk,), jnp.int32) for _ in range(NBUF)],
            [pltpu.VMEM((chunk, EMBED), jnp.float32) for _ in range(NBUF)],
            [pltpu.SemaphoreType.DMA for _ in range(NBUF)],
            [pltpu.SemaphoreType.DMA for _ in range(NBUF)],
            [pltpu.SemaphoreType.DMA for _ in range(NBUF)],
        ],
    )
    def gather_kernel(idx_hbm, pe_hbm, out_hbm, idxs, rows, isems, gsems, osems):
        wid = lax.axis_index("s") * NUM_CORES + lax.axis_index("c")
        seq0 = wid * num_chunks
        base = wid * per_worker

        def start_idx(g, s):
            pltpu.async_copy(
                idx_hbm.at[pl.ds(base + g * chunk, chunk)], idxs[s], isems[s])

        def wait_idx(s):
            pltpu.make_async_copy(
                idx_hbm.at[pl.ds(0, chunk)], idxs[s], isems[s]).wait()

        def start_gather(s):
            pltpu.async_copy(pe_hbm.at[idxs[s]], rows[s], gsems[s])

        def wait_gather(s):
            pltpu.make_async_copy(pe_hbm.at[idxs[s]], rows[s], gsems[s]).wait()

        def start_out(g, s):
            pltpu.async_copy(rows[s], out_hbm.at[seq0 + g], osems[s])

        def wait_out(s):
            pltpu.make_async_copy(rows[s], out_hbm.at[0], osems[s]).wait()

        for s in range(NBUF):
            start_idx(s, s)
        for s in range(NBUF - 1):
            wait_idx(s)
            start_gather(s)

        @pl.loop(0, num_chunks, step=NBUF)
        def _(g0):
            for k in range(NBUF):
                s = k
                t = (k + NBUF - 1) % NBUF
                g = g0 + k

                @pl.when(g + NBUF - 1 < num_chunks)
                def _():
                    @pl.when(g >= 1)
                    def _():
                        wait_out(t)
                    wait_idx(t)
                    start_gather(t)

                wait_gather(s)
                start_out(g, s)

                @pl.when(g + NBUF < num_chunks)
                def _():
                    start_idx(g + NBUF, s)

        for s in range(NBUF):
            wait_out(s)

    return gather_kernel


def kernel(timestep, pe):
    n_seq, seq_len = timestep.shape
    idx = timestep.reshape(-1)
    return _make_gather(n_seq, seq_len)(idx, pe)

# --- scband reference (transcript-rebuilt; emitter-appended) ---
"""Pipeline reference for scband-sinusoidal-embedding-1821066134196 (READ-ONLY COPY).

The authoritative reference and input builder live on the scoring server;
editing this copy changes nothing except your own understanding.
"""

import jax, jax.numpy as jnp
import numpy as np

EMBEDDING_DIM = 64
MAX_POSITIONS = 100000


def _build_pe():
    position = jnp.arange(0, MAX_POSITIONS, dtype=jnp.float32)[:, None]
    div_term = jnp.exp(jnp.arange(0, EMBEDDING_DIM, 2, dtype=jnp.float32) * (-jnp.log(jnp.asarray(10000.0)) / EMBEDDING_DIM))
    pe = jnp.zeros((MAX_POSITIONS, EMBEDDING_DIM), dtype=jnp.float32)
    pe = pe.at[:, 0::2].set(jnp.sin(position * div_term))
    pe = pe.at[:, 1::2].set(jnp.cos(position * div_term))
    return pe


def setup_inputs(seed: int = 0) -> dict:
    key = jax.random.key(seed)
    timestep = jax.random.randint(key, (16384, 200), 0, MAX_POSITIONS, dtype=jnp.int32)
    pe = _build_pe()
    return {"timestep": timestep, "pe": pe}


def reference(timestep, pe):
    # Faithful translation of SinusoidalEmbedding.forward: self.pe[timestep]
    return jnp.take(pe, timestep, axis=0)

if __name__ == "__main__":
    import jax
    _d = setup_inputs()
    print(jax.jit(kernel)(*tuple(_d.values())))

</pallas_src>

<mosaic_0001>
#map = affine_map<(d0, d1) -> (0)>
#map1 = affine_map<(d0, d1) -> (0, 0)>
#map2 = affine_map<(d0, d1) -> (0, 0, 0)>
module attributes {stable_mosaic.version = 14 : i64} {
  func.func @gather_kernel(%arg0: i32, %arg1: i32, %arg2: memref<3276800xi32, #tpu.memory_space<hbm>>, %arg3: memref<100000x64xf32, #tpu.memory_space<hbm>>, %arg4: memref<16384x200x64xf32, #tpu.memory_space<hbm>>, %arg5: memref<200xi32, #tpu.memory_space<vmem>>, %arg6: memref<200xi32, #tpu.memory_space<vmem>>, %arg7: memref<200xi32, #tpu.memory_space<vmem>>, %arg8: memref<200xi32, #tpu.memory_space<vmem>>, %arg9: memref<200x64xf32, #tpu.memory_space<vmem>>, %arg10: memref<200x64xf32, #tpu.memory_space<vmem>>, %arg11: memref<200x64xf32, #tpu.memory_space<vmem>>, %arg12: memref<200x64xf32, #tpu.memory_space<vmem>>, %arg13: memref<!tpu.dma_semaphore, #tpu.memory_space<semaphore_mem>>, %arg14: memref<!tpu.dma_semaphore, #tpu.memory_space<semaphore_mem>>, %arg15: memref<!tpu.dma_semaphore, #tpu.memory_space<semaphore_mem>>, %arg16: memref<!tpu.dma_semaphore, #tpu.memory_space<semaphore_mem>>, %arg17: memref<!tpu.dma_semaphore, #tpu.memory_space<semaphore_mem>>, %arg18: memref<!tpu.dma_semaphore, #tpu.memory_space<semaphore_mem>>, %arg19: memref<!tpu.dma_semaphore, #tpu.memory_space<semaphore_mem>>, %arg20: memref<!tpu.dma_semaphore, #tpu.memory_space<semaphore_mem>>, %arg21: memref<!tpu.dma_semaphore, #tpu.memory_space<semaphore_mem>>, %arg22: memref<!tpu.dma_semaphore, #tpu.memory_space<semaphore_mem>>, %arg23: memref<!tpu.dma_semaphore, #tpu.memory_space<semaphore_mem>>, %arg24: memref<!tpu.dma_semaphore, #tpu.memory_space<semaphore_mem>>) attributes {dimension_semantics = [#tpu.dimension_semantics<core_parallel>, #tpu.dimension_semantics<subcore_parallel>], iteration_bounds = array<i64: 2, 16>, scalar_prefetch = 0 : i64, scratch_operands = 20 : i64, tpu.core_type = #tpu.core_type<sc_vector_subcore>, window_params = [{transform_indices = #map}, {transform_indices = #map1}, {transform_indices = #map2}]} {
    %mul3A = arith.constant 2 : i32
    %mul3A_0 = arith.muli %arg1, %mul3A : i32
    %add3A = arith.addi %mul3A_0, %arg0 : i32
    %mul3A_1 = arith.constant 512 : i32
    %mul3A_2 = arith.muli %add3A, %mul3A_1 : i32
    %mul3A_3 = arith.constant 102400 : i32
    %mul3A_4 = arith.muli %add3A, %mul3A_3 : i32
    %add3A_5 = arith.constant 0 : i32
    %add3A_6 = arith.addi %mul3A_4, %add3A_5 : i32
    %dma_start3A = tpu.memref_slice %arg2[%add3A_6] : memref<3276800xi32, #tpu.memory_space<hbm>> -> memref<200xi32, #tpu.memory_space<hbm>>
    %dma_start3A_7 = tpu.memref_slice %arg2[%add3A_6] : memref<3276800xi32, #tpu.memory_space<hbm>> -> memref<200xi32, #tpu.memory_space<hbm>>
    tpu.enqueue_dma source(%dma_start3A_7 : memref<200xi32, #tpu.memory_space<hbm>>) target(%arg5 : memref<200xi32, #tpu.memory_space<vmem>>) target_semaphore(%arg13 : memref<!tpu.dma_semaphore, #tpu.memory_space<semaphore_mem>>)
    %add3A_8 = arith.constant 200 : i32
    %add3A_9 = arith.addi %mul3A_4, %add3A_8 : i32
    %dma_start3A_10 = tpu.memref_slice %arg2[%add3A_9] : memref<3276800xi32, #tpu.memory_space<hbm>> -> memref<200xi32, #tpu.memory_space<hbm>>
    %dma_start3A_11 = tpu.memref_slice %arg2[%add3A_9] : memref<3276800xi32, #tpu.memory_space<hbm>> -> memref<200xi32, #tpu.memory_space<hbm>>
    tpu.enqueue_dma source(%dma_start3A_11 : memref<200xi32, #tpu.memory_space<hbm>>) target(%arg6 : memref<200xi32, #tpu.memory_space<vmem>>) target_semaphore(%arg14 : memref<!tpu.dma_semaphore, #tpu.memory_space<semaphore_mem>>)
    %add3A_12 = arith.constant 400 : i32
    %add3A_13 = arith.addi %mul3A_4, %add3A_12 : i32
    %dma_start3A_14 = tpu.memref_slice %arg2[%add3A_13] : memref<3276800xi32, #tpu.memory_space<hbm>> -> memref<200xi32, #tpu.memory_space<hbm>>
    %dma_start3A_15 = tpu.memref_slice %arg2[%add3A_13] : memref<3276800xi32, #tpu.memory_space<hbm>> -> memref<200xi32, #tpu.memory_space<hbm>>
    tpu.enqueue_dma source(%dma_start3A_15 : memref<200xi32, #tpu.memory_space<hbm>>) target(%arg7 : memref<200xi32, #tpu.memory_space<vmem>>) target_semaphore(%arg15 : memref<!tpu.dma_semaphore, #tpu.memory_space<semaphore_mem>>)
    %add3A_16 = arith.constant 600 : i32
    %add3A_17 = arith.addi %mul3A_4, %add3A_16 : i32
    %dma_start3A_18 = tpu.memref_slice %arg2[%add3A_17] : memref<3276800xi32, #tpu.memory_space<hbm>> -> memref<200xi32, #tpu.memory_space<hbm>>
    %dma_start3A_19 = tpu.memref_slice %arg2[%add3A_17] : memref<3276800xi32, #tpu.memory_space<hbm>> -> memref<200xi32, #tpu.memory_space<hbm>>
    tpu.enqueue_dma source(%dma_start3A_19 : memref<200xi32, #tpu.memory_space<hbm>>) target(%arg8 : memref<200xi32, #tpu.memory_space<vmem>>) target_semaphore(%arg16 : memref<!tpu.dma_semaphore, #tpu.memory_space<semaphore_mem>>)
    %dma_wait3A = arith.constant 0 : i32
    %dma_wait3A_20 = tpu.memref_slice %arg2[%dma_wait3A] : memref<3276800xi32, #tpu.memory_space<hbm>> -> memref<200xi32, #tpu.memory_space<hbm>>
    %dma_wait3A_21 = arith.constant 0 : i32
    %dma_wait3A_22 = tpu.memref_slice %arg2[%dma_wait3A_21] : memref<3276800xi32, #tpu.memory_space<hbm>> -> memref<200xi32, #tpu.memory_space<hbm>>
    tpu.wait_dma2 semaphore(%arg13 : memref<!tpu.dma_semaphore, #tpu.memory_space<semaphore_mem>>) src(%dma_wait3A_22 : memref<200xi32, #tpu.memory_space<hbm>>) dst(%arg5 : memref<200xi32, #tpu.memory_space<vmem>>)
    %dma_start3A_23 = arith.constant 0 : i32
    %dma_start3A_24 = arith.constant 0 : i32
    %dma_start3A_25 = tpu.memref_slice %arg3[%dma_start3A_23, %dma_start3A_24] : memref<100000x64xf32, #tpu.memory_space<hbm>> -> memref<100000x64xf32, #tpu.memory_space<hbm>>
    tpu.enqueue_indirect_dma source(%dma_start3A_25 : memref<100000x64xf32, #tpu.memory_space<hbm>>) target(%arg9 : memref<200x64xf32, #tpu.memory_space<vmem>>) offsets(%arg5 : memref<200xi32, #tpu.memory_space<vmem>>) semaphore(%arg17 : memref<!tpu.dma_semaphore, #tpu.memory_space<semaphore_mem>>)
    %dma_wait3A_26 = arith.constant 0 : i32
    %dma_wait3A_27 = tpu.memref_slice %arg2[%dma_wait3A_26] : memref<3276800xi32, #tpu.memory_space<hbm>> -> memref<200xi32, #tpu.memory_space<hbm>>
    %dma_wait3A_28 = arith.constant 0 : i32
    %dma_wait3A_29 = tpu.memref_slice %arg2[%dma_wait3A_28] : memref<3276800xi32, #tpu.memory_space<hbm>> -> memref<200xi32, #tpu.memory_space<hbm>>
    tpu.wait_dma2 semaphore(%arg14 : memref<!tpu.dma_semaphore, #tpu.memory_space<semaphore_mem>>) src(%dma_wait3A_29 : memref<200xi32, #tpu.memory_space<hbm>>) dst(%arg6 : memref<200xi32, #tpu.memory_space<vmem>>)
    %dma_start3A_30 = arith.constant 0 : i32
    %dma_start3A_31 = arith.constant 0 : i32
    %dma_start3A_32 = tpu.memref_slice %arg3[%dma_start3A_30, %dma_start3A_31] : memref<100000x64xf32, #tpu.memory_space<hbm>> -> memref<100000x64xf32, #tpu.memory_space<hbm>>
    tpu.enqueue_indirect_dma source(%dma_start3A_32 : memref<100000x64xf32, #tpu.memory_space<hbm>>) target(%arg10 : memref<200x64xf32, #tpu.memory_space<vmem>>) offsets(%arg6 : memref<200xi32, #tpu.memory_space<vmem>>) semaphore(%arg18 : memref<!tpu.dma_semaphore, #tpu.memory_space<semaphore_mem>>)
    %dma_wait3A_33 = arith.constant 0 : i32
    %dma_wait3A_34 = tpu.memref_slice %arg2[%dma_wait3A_33] : memref<3276800xi32, #tpu.memory_space<hbm>> -> memref<200xi32, #tpu.memory_space<hbm>>
    %dma_wait3A_35 = arith.constant 0 : i32
    %dma_wait3A_36 = tpu.memref_slice %arg2[%dma_wait3A_35] : memref<3276800xi32, #tpu.memory_space<hbm>> -> memref<200xi32, #tpu.memory_space<hbm>>
    tpu.wait_dma2 semaphore(%arg15 : memref<!tpu.dma_semaphore, #tpu.memory_space<semaphore_mem>>) src(%dma_wait3A_36 : memref<200xi32, #tpu.memory_space<hbm>>) dst(%arg7 : memref<200xi32, #tpu.memory_space<vmem>>)
    %dma_start3A_37 = arith.constant 0 : i32
    %dma_start3A_38 = arith.constant 0 : i32
    %dma_start3A_39 = tpu.memref_slice %arg3[%dma_start3A_37, %dma_start3A_38] : memref<100000x64xf32, #tpu.memory_space<hbm>> -> memref<100000x64xf32, #tpu.memory_space<hbm>>
    tpu.enqueue_indirect_dma source(%dma_start3A_39 : memref<100000x64xf32, #tpu.memory_space<hbm>>) target(%arg11 : memref<200x64xf32, #tpu.memory_space<vmem>>) offsets(%arg7 : memref<200xi32, #tpu.memory_space<vmem>>) semaphore(%arg19 : memref<!tpu.dma_semaphore, #tpu.memory_space<semaphore_mem>>)
    %scan3A = arith.constant 0 : i32
    %scan3A_40 = arith.constant 128 : i32
    %scan3A_41 = arith.addi %scan3A, %scan3A_40 : i32
    %scan3A_42 = arith.constant 1 : i32
    scf.for %scan3A_80 = %scan3A to %scan3A_41 step %scan3A_42  : i32 {
      %mul3A_81 = arith.constant 4 : i32
      %mul3A_82 = arith.muli %scan3A_80, %mul3A_81 : i32
      %add3A_83 = arith.constant 0 : i32
      %add3A_84 = arith.addi %add3A_83, %mul3A_82 : i32
      %add3A_85 = arith.constant 0 : i32
      %add3A_86 = arith.addi %add3A_84, %add3A_85 : i32
      %add3A_87 = arith.constant 4 : i32
      %add3A_88 = arith.addi %add3A_86, %add3A_87 : i32
      %sub3A = arith.constant 1 : i32
      %sub3A_89 = arith.subi %add3A_88, %sub3A : i32
      %lt3A = arith.constant 512 : i32
      %lt3A_90 = arith.cmpi slt, %sub3A_89, %lt3A : i32
      %convert_element_type3A = arith.extui %lt3A_90 : i1 to i32
      %cond3A = arith.constant 0 : i32
      %cond3A_91 = arith.cmpi ne, %convert_element_type3A, %cond3A : i32
      scf.if %cond3A_91 {
        %ge3A = arith.constant 1 : i32
        %ge3A_201 = arith.cmpi sge, %add3A_86, %ge3A : i32
        %convert_element_type3A_202 = arith.extui %ge3A_201 : i1 to i32
        %cond3A_203 = arith.constant 0 : i32
        %cond3A_204 = arith.cmpi ne, %convert_element_type3A_202, %cond3A_203 : i32
        scf.if %cond3A_204 {
          %dma_wait3A_212 = arith.constant 0 : i32
          %dma_wait3A_213 = arith.constant 0 : i32
          %dma_wait3A_214 = arith.constant 0 : i32
          %dma_wait3A_215 = tpu.memref_slice %arg4[%dma_wait3A_212, %dma_wait3A_213, %dma_wait3A_214] : memref<16384x200x64xf32, #tpu.memory_space<hbm>> -> memref<1x200x64xf32, #tpu.memory_space<hbm>>
          %dma_wait3A_216 = tpu.memref_squeeze %dma_wait3A_215 : memref<1x200x64xf32, #tpu.memory_space<hbm>> -> memref<200x64xf32, #tpu.memory_space<hbm>>
          %dma_wait3A_217 = arith.constant 0 : i32
          %dma_wait3A_218 = arith.constant 0 : i32
          %dma_wait3A_219 = tpu.memref_slice %arg4[%dma_wait3A_212, %dma_wait3A_217, %dma_wait3A_218] : memref<16384x200x64xf32, #tpu.memory_space<hbm>> -> memref<1x200x64xf32, #tpu.memory_space<hbm>>
          %dma_wait3A_220 = tpu.memref_squeeze %dma_wait3A_219 : memref<1x200x64xf32, #tpu.memory_space<hbm>> -> memref<200x64xf32, #tpu.memory_space<hbm>>
          tpu.wait_dma2 semaphore(%arg24 : memref<!tpu.dma_semaphore, #tpu.memory_space<semaphore_mem>>) src(%arg12 : memref<200x64xf32, #tpu.memory_space<vmem>>) dst(%dma_wait3A_220 : memref<200x64xf32, #tpu.memory_space<hbm>>)
        } else {
        }
        %dma_wait3A_205 = arith.constant 0 : i32
        %dma_wait3A_206 = tpu.memref_slice %arg2[%dma_wait3A_205] : memref<3276800xi32, #tpu.memory_space<hbm>> -> memref<200xi32, #tpu.memory_space<hbm>>
        %dma_wait3A_207 = arith.constant 0 : i32
        %dma_wait3A_208 = tpu.memref_slice %arg2[%dma_wait3A_207] : memref<3276800xi32, #tpu.memory_space<hbm>> -> memref<200xi32, #tpu.memory_space<hbm>>
        tpu.wait_dma2 semaphore(%arg16 : memref<!tpu.dma_semaphore, #tpu.memory_space<semaphore_mem>>) src(%dma_wait3A_208 : memref<200xi32, #tpu.memory_space<hbm>>) dst(%arg8 : memref<200xi32, #tpu.memory_space<vmem>>)
        %dma_start3A_209 = arith.constant 0 : i32
        %dma_start3A_210 = arith.constant 0 : i32
        %dma_start3A_211 = tpu.memref_slice %arg3[%dma_start3A_209, %dma_start3A_210] : memref<100000x64xf32, #tpu.memory_space<hbm>> -> memref<100000x64xf32, #tpu.memory_space<hbm>>
        tpu.enqueue_indirect_dma source(%dma_start3A_211 : memref<100000x64xf32, #tpu.memory_space<hbm>>) target(%arg12 : memref<200x64xf32, #tpu.memory_space<vmem>>) offsets(%arg8 : memref<200xi32, #tpu.memory_space<vmem>>) semaphore(%arg20 : memref<!tpu.dma_semaphore, #tpu.memory_space<semaphore_mem>>)
      } else {
      }
      %dma_wait3A_92 = arith.constant 0 : i32
      %dma_wait3A_93 = arith.constant 0 : i32
      %dma_wait3A_94 = tpu.memref_slice %arg3[%dma_wait3A_92, %dma_wait3A_93] : memref<100000x64xf32, #tpu.memory_space<hbm>> -> memref<100000x64xf32, #tpu.memory_space<hbm>>
      tpu.wait_indirect_dma semaphore(%arg17 : memref<!tpu.dma_semaphore, #tpu.memory_space<semaphore_mem>>) src(%dma_wait3A_94 : memref<100000x64xf32, #tpu.memory_space<hbm>>) dst(%arg9 : memref<200x64xf32, #tpu.memory_space<vmem>>)
      %add3A_95 = arith.addi %mul3A_2, %add3A_86 : i32
      %dma_start3A_96 = arith.constant 0 : i32
      %dma_start3A_97 = arith.constant 0 : i32
      %dma_start3A_98 = tpu.memref_slice %arg4[%add3A_95, %dma_start3A_96, %dma_start3A_97] : memref<16384x200x64xf32, #tpu.memory_space<hbm>> -> memref<1x200x64xf32, #tpu.memory_space<hbm>>
      %dma_start3A_99 = tpu.memref_squeeze %dma_start3A_98 : memref<1x200x64xf32, #tpu.memory_space<hbm>> -> memref<200x64xf32, #tpu.memory_space<hbm>>
      %dma_start3A_100 = arith.constant 0 : i32
      %dma_start3A_101 = arith.constant 0 : i32
      %dma_start3A_102 = tpu.memref_slice %arg4[%add3A_95, %dma_start3A_100, %dma_start3A_101] : memref<16384x200x64xf32, #tpu.memory_space<hbm>> -> memref<1x200x64xf32, #tpu.memory_space<hbm>>
      %dma_start3A_103 = tpu.memref_squeeze %dma_start3A_102 : memref<1x200x64xf32, #tpu.memory_space<hbm>> -> memref<200x64xf32, #tpu.memory_space<hbm>>
      tpu.enqueue_dma source(%arg9 : memref<200x64xf32, #tpu.memory_space<vmem>>) target(%dma_start3A_103 : memref<200x64xf32, #tpu.memory_space<hbm>>) target_semaphore(%arg21 : memref<!tpu.dma_semaphore, #tpu.memory_space<semaphore_mem>>)
      %add3A_104 = arith.constant 4 : i32
      %add3A_105 = arith.addi %add3A_86, %add3A_104 : i32
      %lt3A_106 = arith.constant 512 : i32
      %lt3A_107 = arith.cmpi slt, %add3A_105, %lt3A_106 : i32
      %convert_element_type3A_108 = arith.extui %lt3A_107 : i1 to i32
      %cond3A_109 = arith.constant 0 : i32
      %cond3A_110 = arith.cmpi ne, %convert_element_type3A_108, %cond3A_109 : i32
      scf.if %cond3A_110 {
        %add3A_201 = arith.constant 4 : i32
        %add3A_202 = arith.addi %add3A_86, %add3A_201 : i32
        %mul3A_203 = arith.constant 200 : i32
        %mul3A_204 = arith.muli %add3A_202, %mul3A_203 : i32
        %add3A_205 = arith.addi %mul3A_4, %mul3A_204 : i32
        %dma_start3A_206 = tpu.memref_slice %arg2[%add3A_205] : memref<3276800xi32, #tpu.memory_space<hbm>> -> memref<200xi32, #tpu.memory_space<hbm>>
        %dma_start3A_207 = tpu.memref_slice %arg2[%add3A_205] : memref<3276800xi32, #tpu.memory_space<hbm>> -> memref<200xi32, #tpu.memory_space<hbm>>
        tpu.enqueue_dma source(%dma_start3A_207 : memref<200xi32, #tpu.memory_space<hbm>>) target(%arg5 : memref<200xi32, #tpu.memory_space<vmem>>) target_semaphore(%arg13 : memref<!tpu.dma_semaphore, #tpu.memory_space<semaphore_mem>>)
      } else {
      }
      %add3A_111 = arith.constant 1 : i32
      %add3A_112 = arith.addi %add3A_84, %add3A_111 : i32
      %add3A_113 = arith.constant 4 : i32
      %add3A_114 = arith.addi %add3A_112, %add3A_113 : i32
      %sub3A_115 = arith.constant 1 : i32
      %sub3A_116 = arith.subi %add3A_114, %sub3A_115 : i32
      %lt3A_117 = arith.constant 512 : i32
      %lt3A_118 = arith.cmpi slt, %sub3A_116, %lt3A_117 : i32
      %convert_element_type3A_119 = arith.extui %lt3A_118 : i1 to i32
      %cond3A_120 = arith.constant 0 : i32
      %cond3A_121 = arith.cmpi ne, %convert_element_type3A_119, %cond3A_120 : i32
      scf.if %cond3A_121 {
        %ge3A = arith.constant 1 : i32
        %ge3A_201 = arith.cmpi sge, %add3A_112, %ge3A : i32
        %convert_element_type3A_202 = arith.extui %ge3A_201 : i1 to i32
        %cond3A_203 = arith.constant 0 : i32
        %cond3A_204 = arith.cmpi ne, %convert_element_type3A_202, %cond3A_203 : i32
        scf.if %cond3A_204 {
          %dma_wait3A_212 = arith.constant 0 : i32
          %dma_wait3A_213 = arith.constant 0 : i32
          %dma_wait3A_214 = arith.constant 0 : i32
          %dma_wait3A_215 = tpu.memref_slice %arg4[%dma_wait3A_212, %dma_wait3A_213, %dma_wait3A_214] : memref<16384x200x64xf32, #tpu.memory_space<hbm>> -> memref<1x200x64xf32, #tpu.memory_space<hbm>>
          %dma_wait3A_216 = tpu.memref_squeeze %dma_wait3A_215 : memref<1x200x64xf32, #tpu.memory_space<hbm>> -> memref<200x64xf32, #tpu.memory_space<hbm>>
          %dma_wait3A_217 = arith.constant 0 : i32
          %dma_wait3A_218 = arith.constant 0 : i32
          %dma_wait3A_219 = tpu.memref_slice %arg4[%dma_wait3A_212, %dma_wait3A_217, %dma_wait3A_218] : memref<16384x200x64xf32, #tpu.memory_space<hbm>> -> memref<1x200x64xf32, #tpu.memory_space<hbm>>
          %dma_wait3A_220 = tpu.memref_squeeze %dma_wait3A_219 : memref<1x200x64xf32, #tpu.memory_space<hbm>> -> memref<200x64xf32, #tpu.memory_space<hbm>>
          tpu.wait_dma2 semaphore(%arg21 : memref<!tpu.dma_semaphore, #tpu.memory_space<semaphore_mem>>) src(%arg9 : memref<200x64xf32, #tpu.memory_space<vmem>>) dst(%dma_wait3A_220 : memref<200x64xf32, #tpu.memory_space<hbm>>)
        } else {
        }
        %dma_wait3A_205 = arith.constant 0 : i32
        %dma_wait3A_206 = tpu.memref_slice %arg2[%dma_wait3A_205] : memref<3276800xi32, #tpu.memory_space<hbm>> -> memref<200xi32, #tpu.memory_space<hbm>>
        %dma_wait3A_207 = arith.constant 0 : i32
        %dma_wait3A_208 = tpu.memref_slice %arg2[%dma_wait3A_207] : memref<3276800xi32, #tpu.memory_space<hbm>> -> memref<200xi32, #tpu.memory_space<hbm>>
        tpu.wait_dma2 semaphore(%arg13 : memref<!tpu.dma_semaphore, #tpu.memory_space<semaphore_mem>>) src(%dma_wait3A_208 : memref<200xi32, #tpu.memory_space<hbm>>) dst(%arg5 : memref<200xi32, #tpu.memory_space<vmem>>)
        %dma_start3A_209 = arith.constant 0 : i32
        %dma_start3A_210 = arith.constant 0 : i32
        %dma_start3A_211 = tpu.memref_slice %arg3[%dma_start3A_209, %dma_start3A_210] : memref<100000x64xf32, #tpu.memory_space<hbm>> -> memref<100000x64xf32, #tpu.memory_space<hbm>>
        tpu.enqueue_indirect_dma source(%dma_start3A_211 : memref<100000x64xf32, #tpu.memory_space<hbm>>) target(%arg9 : memref<200x64xf32, #tpu.memory_space<vmem>>) offsets(%arg5 : memref<200xi32, #tpu.memory_space<vmem>>) semaphore(%arg17 : memref<!tpu.dma_semaphore, #tpu.memory_space<semaphore_mem>>)
      } else {
      }
      %dma_wait3A_122 = arith.constant 0 : i32
      %dma_wait3A_123 = arith.constant 0 : i32
      %dma_wait3A_124 = tpu.memref_slice %arg3[%dma_wait3A_122, %dma_wait3A_123] : memref<100000x64xf32, #tpu.memory_space<hbm>> -> memref<100000x64xf32, #tpu.memory_space<hbm>>
      tpu.wait_indirect_dma semaphore(%arg18 : memref<!tpu.dma_semaphore, #tpu.memory_space<semaphore_mem>>) src(%dma_wait3A_124 : memref<100000x64xf32, #tpu.memory_space<hbm>>) dst(%arg10 : memref<200x64xf32, #tpu.memory_space<vmem>>)
      %add3A_125 = arith.addi %mul3A_2, %add3A_112 : i32
      %dma_start3A_126 = arith.constant 0 : i32
      %dma_start3A_127 = arith.constant 0 : i32
      %dma_start3A_128 = tpu.memref_slice %arg4[%add3A_125, %dma_start3A_126, %dma_start3A_127] : memref<16384x200x64xf32, #tpu.memory_space<hbm>> -> memref<1x200x64xf32, #tpu.memory_space<hbm>>
      %dma_start3A_129 = tpu.memref_squeeze %dma_start3A_128 : memref<1x200x64xf32, #tpu.memory_space<hbm>> -> memref<200x64xf32, #tpu.memory_space<hbm>>
      %dma_start3A_130 = arith.constant 0 : i32
      %dma_start3A_131 = arith.constant 0 : i32
      %dma_start3A_132 = tpu.memref_slice %arg4[%add3A_125, %dma_start3A_130, %dma_start3A_131] : memref<16384x200x64xf32, #tpu.memory_space<hbm>> -> memref<1x200x64xf32, #tpu.memory_space<hbm>>
      %dma_start3A_133 = tpu.memref_squeeze %dma_start3A_132 : memref<1x200x64xf32, #tpu.memory_space<hbm>> -> memref<200x64xf32, #tpu.memory_space<hbm>>
      tpu.enqueue_dma source(%arg10 : memref<200x64xf32, #tpu.memory_space<vmem>>) target(%dma_start3A_133 : memref<200x64xf32, #tpu.memory_space<hbm>>) target_semaphore(%arg22 : memref<!tpu.dma_semaphore, #tpu.memory_space<semaphore_mem>>)
      %add3A_134 = arith.constant 4 : i32
      %add3A_135 = arith.addi %add3A_112, %add3A_134 : i32
      %lt3A_136 = arith.constant 512 : i32
      %lt3A_137 = arith.cmpi slt, %add3A_135, %lt3A_136 : i32
      %convert_element_type3A_138 = arith.extui %lt3A_137 : i1 to i32
      %cond3A_139 = arith.constant 0 : i32
      %cond3A_140 = arith.cmpi ne, %convert_element_type3A_138, %cond3A_139 : i32
      scf.if %cond3A_140 {
        %add3A_201 = arith.constant 4 : i32
        %add3A_202 = arith.addi %add3A_112, %add3A_201 : i32
        %mul3A_203 = arith.constant 200 : i32
        %mul3A_204 = arith.muli %add3A_202, %mul3A_203 : i32
        %add3A_205 = arith.addi %mul3A_4, %mul3A_204 : i32
        %dma_start3A_206 = tpu.memref_slice %arg2[%add3A_205] : memref<3276800xi32, #tpu.memory_space<hbm>> -> memref<200xi32, #tpu.memory_space<hbm>>
        %dma_start3A_207 = tpu.memref_slice %arg2[%add3A_205] : memref<3276800xi32, #tpu.memory_space<hbm>> -> memref<200xi32, #tpu.memory_space<hbm>>
        tpu.enqueue_dma source(%dma_start3A_207 : memref<200xi32, #tpu.memory_space<hbm>>) target(%arg6 : memref<200xi32, #tpu.memory_space<vmem>>) target_semaphore(%arg14 : memref<!tpu.dma_semaphore, #tpu.memory_space<semaphore_mem>>)
      } else {
      }
      %add3A_141 = arith.constant 2 : i32
      %add3A_142 = arith.addi %add3A_84, %add3A_141 : i32
      %add3A_143 = arith.constant 4 : i32
      %add3A_144 = arith.addi %add3A_142, %add3A_143 : i32
      %sub3A_145 = arith.constant 1 : i32
      %sub3A_146 = arith.subi %add3A_144, %sub3A_145 : i32
      %lt3A_147 = arith.constant 512 : i32
      %lt3A_148 = arith.cmpi slt, %sub3A_146, %lt3A_147 : i32
      %convert_element_type3A_149 = arith.extui %lt3A_148 : i1 to i32
      %cond3A_150 = arith.constant 0 : i32
      %cond3A_151 = arith.cmpi ne, %convert_element_type3A_149, %cond3A_150 : i32
      scf.if %cond3A_151 {
        %ge3A = arith.constant 1 : i32
        %ge3A_201 = arith.cmpi sge, %add3A_142, %ge3A : i32
        %convert_element_type3A_202 = arith.extui %ge3A_201 : i1 to i32
        %cond3A_203 = arith.constant 0 : i32
        %cond3A_204 = arith.cmpi ne, %convert_element_type3A_202, %cond3A_203 : i32
        scf.if %cond3A_204 {
          %dma_wait3A_212 = arith.constant 0 : i32
          %dma_wait3A_213 = arith.constant 0 : i32
          %dma_wait3A_214 = arith.constant 0 : i32
          %dma_wait3A_215 = tpu.memref_slice %arg4[%dma_wait3A_212, %dma_wait3A_213, %dma_wait3A_214] : memref<16384x200x64xf32, #tpu.memory_space<hbm>> -> memref<1x200x64xf32, #tpu.memory_space<hbm>>
          %dma_wait3A_216 = tpu.memref_squeeze %dma_wait3A_215 : memref<1x200x64xf32, #tpu.memory_space<hbm>> -> memref<200x64xf32, #tpu.memory_space<hbm>>
          %dma_wait3A_217 = arith.constant 0 : i32
          %dma_wait3A_218 = arith.constant 0 : i32
          %dma_wait3A_219 = tpu.memref_slice %arg4[%dma_wait3A_212, %dma_wait3A_217, %dma_wait3A_218] : memref<16384x200x64xf32, #tpu.memory_space<hbm>> -> memref<1x200x64xf32, #tpu.memory_space<hbm>>
          %dma_wait3A_220 = tpu.memref_squeeze %dma_wait3A_219 : memref<1x200x64xf32, #tpu.memory_space<hbm>> -> memref<200x64xf32, #tpu.memory_space<hbm>>
          tpu.wait_dma2 semaphore(%arg22 : memref<!tpu.dma_semaphore, #tpu.memory_space<semaphore_mem>>) src(%arg10 : memref<200x64xf32, #tpu.memory_space<vmem>>) dst(%dma_wait3A_220 : memref<200x64xf32, #tpu.memory_space<hbm>>)
        } else {
        }
        %dma_wait3A_205 = arith.constant 0 : i32
        %dma_wait3A_206 = tpu.memref_slice %arg2[%dma_wait3A_205] : memref<3276800xi32, #tpu.memory_space<hbm>> -> memref<200xi32, #tpu.memory_space<hbm>>
        %dma_wait3A_207 = arith.constant 0 : i32
        %dma_wait3A_208 = tpu.memref_slice %arg2[%dma_wait3A_207] : memref<3276800xi32, #tpu.memory_space<hbm>> -> memref<200xi32, #tpu.memory_space<hbm>>
        tpu.wait_dma2 semaphore(%arg14 : memref<!tpu.dma_semaphore, #tpu.memory_space<semaphore_mem>>) src(%dma_wait3A_208 : memref<200xi32, #tpu.memory_space<hbm>>) dst(%arg6 : memref<200xi32, #tpu.memory_space<vmem>>)
        %dma_start3A_209 = arith.constant 0 : i32
        %dma_start3A_210 = arith.constant 0 : i32
        %dma_start3A_211 = tpu.memref_slice %arg3[%dma_start3A_209, %dma_start3A_210] : memref<100000x64xf32, #tpu.memory_space<hbm>> -> memref<100000x64xf32, #tpu.memory_space<hbm>>
        tpu.enqueue_indirect_dma source(%dma_start3A_211 : memref<100000x64xf32, #tpu.memory_space<hbm>>) target(%arg10 : memref<200x64xf32, #tpu.memory_space<vmem>>) offsets(%arg6 : memref<200xi32, #tpu.memory_space<vmem>>) semaphore(%arg18 : memref<!tpu.dma_semaphore, #tpu.memory_space<semaphore_mem>>)
      } else {
      }
      %dma_wait3A_152 = arith.constant 0 : i32
      %dma_wait3A_153 = arith.constant 0 : i32
      %dma_wait3A_154 = tpu.memref_slice %arg3[%dma_wait3A_152, %dma_wait3A_153] : memref<100000x64xf32, #tpu.memory_space<hbm>> -> memref<100000x64xf32, #tpu.memory_space<hbm>>
      tpu.wait_indirect_dma semaphore(%arg19 : memref<!tpu.dma_semaphore, #tpu.memory_space<semaphore_mem>>) src(%dma_wait3A_154 : memref<100000x64xf32, #tpu.memory_space<hbm>>) dst(%arg11 : memref<200x64xf32, #tpu.memory_space<vmem>>)
      %add3A_155 = arith.addi %mul3A_2, %add3A_142 : i32
      %dma_start3A_156 = arith.constant 0 : i32
      %dma_start3A_157 = arith.constant 0 : i32
      %dma_start3A_158 = tpu.memref_slice %arg4[%add3A_155, %dma_start3A_156, %dma_start3A_157] : memref<16384x200x64xf32, #tpu.memory_space<hbm>> -> memref<1x200x64xf32, #tpu.memory_space<hbm>>
      %dma_start3A_159 = tpu.memref_squeeze %dma_start3A_158 : memref<1x200x64xf32, #tpu.memory_space<hbm>> -> memref<200x64xf32, #tpu.memory_space<hbm>>
      %dma_start3A_160 = arith.constant 0 : i32
      %dma_start3A_161 = arith.constant 0 : i32
      %dma_start3A_162 = tpu.memref_slice %arg4[%add3A_155, %dma_start3A_160, %dma_start3A_161] : memref<16384x200x64xf32, #tpu.memory_space<hbm>> -> memref<1x200x64xf32, #tpu.memory_space<hbm>>
      %dma_start3A_163 = tpu.memref_squeeze %dma_start3A_162 : memref<1x200x64xf32, #tpu.memory_space<hbm>> -> memref<200x64xf32, #tpu.memory_space<hbm>>
      tpu.enqueue_dma source(%arg11 : memref<200x64xf32, #tpu.memory_space<vmem>>) target(%dma_start3A_163 : memref<200x64xf32, #tpu.memory_space<hbm>>) target_semaphore(%arg23 : memref<!tpu.dma_semaphore, #tpu.memory_space<semaphore_mem>>)
      %add3A_164 = arith.constant 4 : i32
      %add3A_165 = arith.addi %add3A_142, %add3A_164 : i32
      %lt3A_166 = arith.constant 512 : i32
      %lt3A_167 = arith.cmpi slt, %add3A_165, %lt3A_166 : i32
      %convert_element_type3A_168 = arith.extui %lt3A_167 : i1 to i32
      %cond3A_169 = arith.constant 0 : i32
      %cond3A_170 = arith.cmpi ne, %convert_element_type3A_168, %cond3A_169 : i32
      scf.if %cond3A_170 {
        %add3A_201 = arith.constant 4 : i32
        %add3A_202 = arith.addi %add3A_142, %add3A_201 : i32
        %mul3A_203 = arith.constant 200 : i32
        %mul3A_204 = arith.muli %add3A_202, %mul3A_203 : i32
        %add3A_205 = arith.addi %mul3A_4, %mul3A_204 : i32
        %dma_start3A_206 = tpu.memref_slice %arg2[%add3A_205] : memref<3276800xi32, #tpu.memory_space<hbm>> -> memref<200xi32, #tpu.memory_space<hbm>>
        %dma_start3A_207 = tpu.memref_slice %arg2[%add3A_205] : memref<3276800xi32, #tpu.memory_space<hbm>> -> memref<200xi32, #tpu.memory_space<hbm>>
        tpu.enqueue_dma source(%dma_start3A_207 : memref<200xi32, #tpu.memory_space<hbm>>) target(%arg7 : memref<200xi32, #tpu.memory_space<vmem>>) target_semaphore(%arg15 : memref<!tpu.dma_semaphore, #tpu.memory_space<semaphore_mem>>)
      } else {
      }
      %add3A_171 = arith.constant 3 : i32
      %add3A_172 = arith.addi %add3A_84, %add3A_171 : i32
      %add3A_173 = arith.constant 4 : i32
      %add3A_174 = arith.addi %add3A_172, %add3A_173 : i32
      %sub3A_175 = arith.constant 1 : i32
      %sub3A_176 = arith.subi %add3A_174, %sub3A_175 : i32
      %lt3A_177 = arith.constant 512 : i32
      %lt3A_178 = arith.cmpi slt, %sub3A_176, %lt3A_177 : i32
      %convert_element_type3A_179 = arith.extui %lt3A_178 : i1 to i32
      %cond3A_180 = arith.constant 0 : i32
      %cond3A_181 = arith.cmpi ne, %convert_element_type3A_179, %cond3A_180 : i32
      scf.if %cond3A_181 {
        %ge3A = arith.constant 1 : i32
        %ge3A_201 = arith.cmpi sge, %add3A_172, %ge3A : i32
        %convert_element_type3A_202 = arith.extui %ge3A_201 : i1 to i32
        %cond3A_203 = arith.constant 0 : i32
        %cond3A_204 = arith.cmpi ne, %convert_element_type3A_202, %cond3A_203 : i32
        scf.if %cond3A_204 {
          %dma_wait3A_212 = arith.constant 0 : i32
          %dma_wait3A_213 = arith.constant 0 : i32
          %dma_wait3A_214 = arith.constant 0 : i32
          %dma_wait3A_215 = tpu.memref_slice %arg4[%dma_wait3A_212, %dma_wait3A_213, %dma_wait3A_214] : memref<16384x200x64xf32, #tpu.memory_space<hbm>> -> memref<1x200x64xf32, #tpu.memory_space<hbm>>
          %dma_wait3A_216 = tpu.memref_squeeze %dma_wait3A_215 : memref<1x200x64xf32, #tpu.memory_space<hbm>> -> memref<200x64xf32, #tpu.memory_space<hbm>>
          %dma_wait3A_217 = arith.constant 0 : i32
          %dma_wait3A_218 = arith.constant 0 : i32
          %dma_wait3A_219 = tpu.memref_slice %arg4[%dma_wait3A_212, %dma_wait3A_217, %dma_wait3A_218] : memref<16384x200x64xf32, #tpu.memory_space<hbm>> -> memref<1x200x64xf32, #tpu.memory_space<hbm>>
          %dma_wait3A_220 = tpu.memref_squeeze %dma_wait3A_219 : memref<1x200x64xf32, #tpu.memory_space<hbm>> -> memref<200x64xf32, #tpu.memory_space<hbm>>
          tpu.wait_dma2 semaphore(%arg23 : memref<!tpu.dma_semaphore, #tpu.memory_space<semaphore_mem>>) src(%arg11 : memref<200x64xf32, #tpu.memory_space<vmem>>) dst(%dma_wait3A_220 : memref<200x64xf32, #tpu.memory_space<hbm>>)
        } else {
        }
        %dma_wait3A_205 = arith.constant 0 : i32
        %dma_wait3A_206 = tpu.memref_slice %arg2[%dma_wait3A_205] : memref<3276800xi32, #tpu.memory_space<hbm>> -> memref<200xi32, #tpu.memory_space<hbm>>
        %dma_wait3A_207 = arith.constant 0 : i32
        %dma_wait3A_208 = tpu.memref_slice %arg2[%dma_wait3A_207] : memref<3276800xi32, #tpu.memory_space<hbm>> -> memref<200xi32, #tpu.memory_space<hbm>>
        tpu.wait_dma2 semaphore(%arg15 : memref<!tpu.dma_semaphore, #tpu.memory_space<semaphore_mem>>) src(%dma_wait3A_208 : memref<200xi32, #tpu.memory_space<hbm>>) dst(%arg7 : memref<200xi32, #tpu.memory_space<vmem>>)
        %dma_start3A_209 = arith.constant 0 : i32
        %dma_start3A_210 = arith.constant 0 : i32
        %dma_start3A_211 = tpu.memref_slice %arg3[%dma_start3A_209, %dma_start3A_210] : memref<100000x64xf32, #tpu.memory_space<hbm>> -> memref<100000x64xf32, #tpu.memory_space<hbm>>
        tpu.enqueue_indirect_dma source(%dma_start3A_211 : memref<100000x64xf32, #tpu.memory_space<hbm>>) target(%arg11 : memref<200x64xf32, #tpu.memory_space<vmem>>) offsets(%arg7 : memref<200xi32, #tpu.memory_space<vmem>>) semaphore(%arg19 : memref<!tpu.dma_semaphore, #tpu.memory_space<semaphore_mem>>)
      } else {
      }
      %dma_wait3A_182 = arith.constant 0 : i32
      %dma_wait3A_183 = arith.constant 0 : i32
      %dma_wait3A_184 = tpu.memref_slice %arg3[%dma_wait3A_182, %dma_wait3A_183] : memref<100000x64xf32, #tpu.memory_space<hbm>> -> memref<100000x64xf32, #tpu.memory_space<hbm>>
      tpu.wait_indirect_dma semaphore(%arg20 : memref<!tpu.dma_semaphore, #tpu.memory_space<semaphore_mem>>) src(%dma_wait3A_184 : memref<100000x64xf32, #tpu.memory_space<hbm>>) dst(%arg12 : memref<200x64xf32, #tpu.memory_space<vmem>>)
      %add3A_185 = arith.addi %mul3A_2, %add3A_172 : i32
      %dma_start3A_186 = arith.constant 0 : i32
      %dma_start3A_187 = arith.constant 0 : i32
      %dma_start3A_188 = tpu.memref_slice %arg4[%add3A_185, %dma_start3A_186, %dma_start3A_187] : memref<16384x200x64xf32, #tpu.memory_space<hbm>> -> memref<1x200x64xf32, #tpu.memory_space<hbm>>
      %dma_start3A_189 = tpu.memref_squeeze %dma_start3A_188 : memref<1x200x64xf32, #tpu.memory_space<hbm>> -> memref<200x64xf32, #tpu.memory_space<hbm>>
      %dma_start3A_190 = arith.constant 0 : i32
      %dma_start3A_191 = arith.constant 0 : i32
      %dma_start3A_192 = tpu.memref_slice %arg4[%add3A_185, %dma_start3A_190, %dma_start3A_191] : memref<16384x200x64xf32, #tpu.memory_space<hbm>> -> memref<1x200x64xf32, #tpu.memory_space<hbm>>
      %dma_start3A_193 = tpu.memref_squeeze %dma_start3A_192 : memref<1x200x64xf32, #tpu.memory_space<hbm>> -> memref<200x64xf32, #tpu.memory_space<hbm>>
      tpu.enqueue_dma source(%arg12 : memref<200x64xf32, #tpu.memory_space<vmem>>) target(%dma_start3A_193 : memref<200x64xf32, #tpu.memory_space<hbm>>) target_semaphore(%arg24 : memref<!tpu.dma_semaphore, #tpu.memory_space<semaphore_mem>>)
      %add3A_194 = arith.constant 4 : i32
      %add3A_195 = arith.addi %add3A_172, %add3A_194 : i32
      %lt3A_196 = arith.constant 512 : i32
      %lt3A_197 = arith.cmpi slt, %add3A_195, %lt3A_196 : i32
      %convert_element_type3A_198 = arith.extui %lt3A_197 : i1 to i32
      %cond3A_199 = arith.constant 0 : i32
      %cond3A_200 = arith.cmpi ne, %convert_element_type3A_198, %cond3A_199 : i32
      scf.if %cond3A_200 {
        %add3A_201 = arith.constant 4 : i32
        %add3A_202 = arith.addi %add3A_172, %add3A_201 : i32
        %mul3A_203 = arith.constant 200 : i32
        %mul3A_204 = arith.muli %add3A_202, %mul3A_203 : i32
        %add3A_205 = arith.addi %mul3A_4, %mul3A_204 : i32
        %dma_start3A_206 = tpu.memref_slice %arg2[%add3A_205] : memref<3276800xi32, #tpu.memory_space<hbm>> -> memref<200xi32, #tpu.memory_space<hbm>>
        %dma_start3A_207 = tpu.memref_slice %arg2[%add3A_205] : memref<3276800xi32, #tpu.memory_space<hbm>> -> memref<200xi32, #tpu.memory_space<hbm>>
        tpu.enqueue_dma source(%dma_start3A_207 : memref<200xi32, #tpu.memory_space<hbm>>) target(%arg8 : memref<200xi32, #tpu.memory_space<vmem>>) target_semaphore(%arg16 : memref<!tpu.dma_semaphore, #tpu.memory_space<semaphore_mem>>)
      } else {
      }
    }
    %scan3A_43 = arith.constant 128 : i32
    %dma_wait3A_44 = arith.constant 0 : i32
    %dma_wait3A_45 = arith.constant 0 : i32
    %dma_wait3A_46 = arith.constant 0 : i32
    %dma_wait3A_47 = tpu.memref_slice %arg4[%dma_wait3A_44, %dma_wait3A_45, %dma_wait3A_46] : memref<16384x200x64xf32, #tpu.memory_space<hbm>> -> memref<1x200x64xf32, #tpu.memory_space<hbm>>
    %dma_wait3A_48 = tpu.memref_squeeze %dma_wait3A_47 : memref<1x200x64xf32, #tpu.memory_space<hbm>> -> memref<200x64xf32, #tpu.memory_space<hbm>>
    %dma_wait3A_49 = arith.constant 0 : i32
    %dma_wait3A_50 = arith.constant 0 : i32
    %dma_wait3A_51 = tpu.memref_slice %arg4[%dma_wait3A_44, %dma_wait3A_49, %dma_wait3A_50] : memref<16384x200x64xf32, #tpu.memory_space<hbm>> -> memref<1x200x64xf32, #tpu.memory_space<hbm>>
    %dma_wait3A_52 = tpu.memref_squeeze %dma_wait3A_51 : memref<1x200x64xf32, #tpu.memory_space<hbm>> -> memref<200x64xf32, #tpu.memory_space<hbm>>
    tpu.wait_dma2 semaphore(%arg21 : memref<!tpu.dma_semaphore, #tpu.memory_space<semaphore_mem>>) src(%arg9 : memref<200x64xf32, #tpu.memory_space<vmem>>) dst(%dma_wait3A_52 : memref<200x64xf32, #tpu.memory_space<hbm>>)
    %dma_wait3A_53 = arith.constant 0 : i32
    %dma_wait3A_54 = arith.constant 0 : i32
    %dma_wait3A_55 = arith.constant 0 : i32
    %dma_wait3A_56 = tpu.memref_slice %arg4[%dma_wait3A_53, %dma_wait3A_54, %dma_wait3A_55] : memref<16384x200x64xf32, #tpu.memory_space<hbm>> -> memref<1x200x64xf32, #tpu.memory_space<hbm>>
    %dma_wait3A_57 = tpu.memref_squeeze %dma_wait3A_56 : memref<1x200x64xf32, #tpu.memory_space<hbm>> -> memref<200x64xf32, #tpu.memory_space<hbm>>
    %dma_wait3A_58 = arith.constant 0 : i32
    %dma_wait3A_59 = arith.constant 0 : i32
    %dma_wait3A_60 = tpu.memref_slice %arg4[%dma_wait3A_53, %dma_wait3A_58, %dma_wait3A_59] : memref<16384x200x64xf32, #tpu.memory_space<hbm>> -> memref<1x200x64xf32, #tpu.memory_space<hbm>>
    %dma_wait3A_61 = tpu.memref_squeeze %dma_wait3A_60 : memref<1x200x64xf32, #tpu.memory_space<hbm>> -> memref<200x64xf32, #tpu.memory_space<hbm>>
    tpu.wait_dma2 semaphore(%arg22 : memref<!tpu.dma_semaphore, #tpu.memory_space<semaphore_mem>>) src(%arg10 : memref<200x64xf32, #tpu.memory_space<vmem>>) dst(%dma_wait3A_61 : memref<200x64xf32, #tpu.memory_space<hbm>>)
    %dma_wait3A_62 = arith.constant 0 : i32
    %dma_wait3A_63 = arith.constant 0 : i32
    %dma_wait3A_64 = arith.constant 0 : i32
    %dma_wait3A_65 = tpu.memref_slice %arg4[%dma_wait3A_62, %dma_wait3A_63, %dma_wait3A_64] : memref<16384x200x64xf32, #tpu.memory_space<hbm>> -> memref<1x200x64xf32, #tpu.memory_space<hbm>>
    %dma_wait3A_66 = tpu.memref_squeeze %dma_wait3A_65 : memref<1x200x64xf32, #tpu.memory_space<hbm>> -> memref<200x64xf32, #tpu.memory_space<hbm>>
    %dma_wait3A_67 = arith.constant 0 : i32
    %dma_wait3A_68 = arith.constant 0 : i32
    %dma_wait3A_69 = tpu.memref_slice %arg4[%dma_wait3A_62, %dma_wait3A_67, %dma_wait3A_68] : memref<16384x200x64xf32, #tpu.memory_space<hbm>> -> memref<1x200x64xf32, #tpu.memory_space<hbm>>
    %dma_wait3A_70 = tpu.memref_squeeze %dma_wait3A_69 : memref<1x200x64xf32, #tpu.memory_space<hbm>> -> memref<200x64xf32, #tpu.memory_space<hbm>>
    tpu.wait_dma2 semaphore(%arg23 : memref<!tpu.dma_semaphore, #tpu.memory_space<semaphore_mem>>) src(%arg11 : memref<200x64xf32, #tpu.memory_space<vmem>>) dst(%dma_wait3A_70 : memref<200x64xf32, #tpu.memory_space<hbm>>)
    %dma_wait3A_71 = arith.constant 0 : i32
    %dma_wait3A_72 = arith.constant 0 : i32
    %dma_wait3A_73 = arith.constant 0 : i32
    %dma_wait3A_74 = tpu.memref_slice %arg4[%dma_wait3A_71, %dma_wait3A_72, %dma_wait3A_73] : memref<16384x200x64xf32, #tpu.memory_space<hbm>> -> memref<1x200x64xf32, #tpu.memory_space<hbm>>
    %dma_wait3A_75 = tpu.memref_squeeze %dma_wait3A_74 : memref<1x200x64xf32, #tpu.memory_space<hbm>> -> memref<200x64xf32, #tpu.memory_space<hbm>>
    %dma_wait3A_76 = arith.constant 0 : i32
    %dma_wait3A_77 = arith.constant 0 : i32
    %dma_wait3A_78 = tpu.memref_slice %arg4[%dma_wait3A_71, %dma_wait3A_76, %dma_wait3A_77] : memref<16384x200x64xf32, #tpu.memory_space<hbm>> -> memref<1x200x64xf32, #tpu.memory_space<hbm>>
    %dma_wait3A_79 = tpu.memref_squeeze %dma_wait3A_78 : memref<1x200x64xf32, #tpu.memory_space<hbm>> -> memref<200x64xf32, #tpu.memory_space<hbm>>
    tpu.wait_dma2 semaphore(%arg24 : memref<!tpu.dma_semaphore, #tpu.memory_space<semaphore_mem>>) src(%arg12 : memref<200x64xf32, #tpu.memory_space<vmem>>) dst(%dma_wait3A_79 : memref<200x64xf32, #tpu.memory_space<hbm>>)
    return
  }
}

</mosaic_0001>

<sc_bundles>
// kernel: kernel.3.cloned.1.call-start
scs
__scs_entry_jumppad:
0x0: {  	(pc) =	sbr.rel $0x88, $3  }
0x1: {  	(tag) =	ssettag $0x0;
	lr =	simm.s32 $0x1  }
0x2: {  	[smem:$0x3F9F] =	sst lr;
	_ =	strace $0xD0000000  }
0x3: {  	_ = 	snop  }
0x4: {  	_ = 	snop  }
0x5: {  	_ = 	snop  }
0x6: {  	_ = 	snop  }
0x7: {  	_ = 	snop  }
__scs_overlays_trampoline_lowered:
0x8: {  	[smem:$0x3FAE] =	sst s0  }
0x9: {  	[smem:$0x3FAF] =	sst s1  }
0xa: {  	[smem:$0x3FB0] =	sst s2  }
0xb: {  	[smem:$0x3FB1] =	sst s3  }
0xc: {  	[smem:$0x3FB2] =	sst s4  }
0xd: {  	[smem:$0x3FB3] =	sst s5  }
0xe: {  	[smem:$0x3FB4] =	sst s6  }
0xf: {  	[smem:$0x3FB5] =	sst s7  }
0x10: {  	[smem:$0x3FB6] =	sst s8  }
0x11: {  	[smem:$0x3FB7] =	sst s9;
	s0 =	simm.s32 @!p0 $0x0  }
0x12: {  	s1 =	sld [smem:$0x3F9D];
	s0 =	simm.s32 @p0 $0x1  }
0x13: {  	[smem:$0x3FB8] =	sst s0;
	s0 =	simm.s32 @!p1 $0x0  }
0x14: {  	s2 =	sld [smem:$0x3F9C];
	s0 =	simm.s32 @p1 $0x1  }
0x15: {  	[smem:$0x3FB9] =	sst s0;
	s0 =	simm.s32 @!p2 $0x0  }
0x16: {  	s3 =	sld [smem:$0x3FDB];
	s0 =	simm.s32 @p2 $0x1  }
0x17: {  	s4 =	simm.s32 $0x1BF5;
	[smem:$0x3FBB] =	sst s0  }
0x18: {  	s0 =	sld [smem:$0x3F9E];
	_ =	swait.ge [sflag:s4], $0x0  }
0x19: {  	s7 =	sld [smem:$0x3F9F]  }
0x1a: {  	s8 =	sadd.s32 $0xFFFFE003, lr  }
0x1b: {  	s9 =	sadd.s32 $0xFFFFFEF7, lr;
	s5 =	simm.s32 $0xFFFFFFFF;
	p2 =	slt.u32 s8, $0xFFFFF086  }
0x1c: {  	p1 =	slt.u32 s9, $0xF7A;
	s5 =	simm.s32 @!p2 $0x0  }
0x1d: {  	s5 =	simm.s32 @p1 $0x1;
	p0 =	seq.s32 s7, s2  }
0x1e: {  	s7 =	smul.u32 @!p0 $0xF7A, s2;
	p2 =	seq.s32 @!p0 s5, $0x0  }
0x1f: {  	s9 =	smul.u32 $0xF7A, s1;
	s8 =	simm.s32 @!p0 $0x1BF5;
	p2 =	por !p2, p0  }
0x20: {  	[sflag:s8] =	ssyncset.s32 @!p0 $0xFFFFF086;
	s6 =	sadd.s32 @!p0 s3, s7;
	s7 =	simm.s32 @!p0 $0x108  }
0x21: {  	s3 =	sadd.s32 s3, s9;
	s6 =	sadd.s32 @!p0 $0x88, s6;
	s7 =	simm.s32 @p2 $0x1082  }
0x22: {  	[simem:s7], [sflag:s8] =	dma.local @!p0 [hbm:s6], $0xF7A  }
0x23: {  	s9 =	sor.u32 $0xD0000000, s2;
	s6 =	simm.s32 $0x108;
	_ =	swait.ge @!p0 [sflag:s8], $0x0  }
0x24: {  	s3 =	sadd.s32 $0x88, s3;
	s6 =	simm.s32 @!p1 $0x1082;
	[sflag:s4] =	ssyncset.s32 $0xFFFFF086  }
0x25: {  	[simem:s6], [sflag:s4] =	dma.local [hbm:s3], $0xF7A  }
0x26: {  	[smem:$0x3F9F] =	sst s1;
	(tag) =	ssettag s2;
	_ =	strace s9  }
0x27: {  	s1 =	sld [smem:$0x3FAF]  }
0x28: {  	s2 =	sld [smem:$0x3FB0]  }
0x29: {  	s4 =	sld [smem:$0x3FB2]  }
0x2a: {  	p0 =	seq.s32 s5, $0x0;
	s5 =	sld [smem:$0x3FB3]  }
0x2b: {  	s6 =	sld [smem:$0x3FB4]  }
0x2c: {  	s7 =	sld [smem:$0x3FB5]  }
0x2d: {  	s3 =	simm.s32 $0x108;
	s8 =	sld [smem:$0x3FB6]  }
0x2e: {  	s3 =	simm.s32 @!p0 $0x1082;
	s9 =	sld [smem:$0x3FB7]  }
0x2f: {  	lr =	sadd.s32 s0, s3;
	s0 =	sld [smem:$0x3FAE]  }
0x30: {  	s3 =	sld [smem:$0x3FB1]  }
0x31: {  	[smem:$0x3FBA] =	sst s10  }
0x32: {  	s10 =	sld [smem:$0x3FB8];
	_ =	sdelay $0x3  }
0x33: {  	p0 =	seq.s32 s10, $0x1;
	s10 =	sld [smem:$0x3FBA];
	_ =	sdelay $0x3  }
0x34: {  	[smem:$0x3FBA] =	sst s10  }
0x35: {  	s10 =	sld [smem:$0x3FB9];
	_ =	sdelay $0x3  }
0x36: {  	p1 =	seq.s32 s10, $0x1;
	s10 =	sld [smem:$0x3FBA];
	_ =	sdelay $0x3  }
0x37: {  	[smem:$0x3FBA] =	sst s10  }
0x38: {  	s10 =	sld [smem:$0x3FBB]  }
0x39: {  	_ = 	snop;
	(pc) =	sbr.ind lr, $3  }
0x3a: {  	_ = 	snop  }
0x3b: {  	_ = 	snop  }
0x3c: {  	p2 =	seq.s32 s10, $0x1;
	s10 =	sld [smem:$0x3FBA]  }
0x3d: {  	_ =	shalt  }
0x3e: {  	_ =	shalt  }
0x3f: {  	_ =	shalt  }
0x40: {  	_ =	shalt  }
0x41: {  	_ =	shalt  }
0x42: {  	_ =	shalt  }
0x43: {  	_ =	shalt  }
0x44: {  	_ =	shalt  }
0x45: {  	_ =	shalt  }
0x46: {  	_ =	shalt  }
0x47: {  	_ =	shalt  }
0x48: {  	_ =	shalt  }
0x49: {  	_ =	shalt  }
0x4a: {  	_ =	shalt  }
0x4b: {  	_ =	shalt  }
0x4c: {  	_ =	shalt  }
0x4d: {  	_ =	shalt  }
0x4e: {  	_ =	shalt  }
0x4f: {  	_ =	shalt  }
0x50: {  	_ =	shalt  }
0x51: {  	_ =	shalt  }
0x52: {  	_ =	shalt  }
0x53: {  	_ =	shalt  }
0x54: {  	_ =	shalt  }
0x55: {  	_ =	shalt  }
0x56: {  	_ =	shalt  }
0x57: {  	_ =	shalt  }
0x58: {  	_ =	shalt  }
0x59: {  	_ =	shalt  }
0x5a: {  	_ =	shalt  }
0x5b: {  	_ =	shalt  }
0x5c: {  	_ =	shalt  }
0x5d: {  	_ =	shalt  }
0x5e: {  	_ =	shalt  }
0x5f: {  	_ =	shalt  }
0x60: {  	_ =	shalt  }
0x61: {  	_ =	shalt  }
0x62: {  	_ =	shalt  }
0x63: {  	_ =	shalt  }
0x64: {  	_ =	shalt  }
0x65: {  	_ =	shalt  }
0x66: {  	_ =	shalt  }
0x67: {  	_ =	shalt  }
0x68: {  	_ =	shalt  }
0x69: {  	_ =	shalt  }
0x6a: {  	_ =	shalt  }
0x6b: {  	_ =	shalt  }
0x6c: {  	_ =	shalt  }
0x6d: {  	_ =	shalt  }
0x6e: {  	_ =	shalt  }
0x6f: {  	_ =	shalt  }
0x70: {  	_ =	shalt  }
0x71: {  	_ =	shalt  }
0x72: {  	_ =	shalt  }
0x73: {  	_ =	shalt  }
0x74: {  	_ =	shalt  }
0x75: {  	_ =	shalt  }
0x76: {  	_ =	shalt  }
0x77: {  	_ =	shalt  }
0x78: {  	_ =	shalt  }
0x79: {  	_ =	shalt  }
0x7a: {  	_ =	shalt  }
0x7b: {  	_ =	shalt  }
0x7c: {  	_ =	shalt  }
0x7d: {  	_ =	shalt  }
0x7e: {  	_ =	shalt  }
0x7f: {  	_ =	shalt  }
0x80: {  	_ =	shalt  }
0x81: {  	_ =	shalt  }
0x82: {  	_ =	shalt  }
0x83: {  	_ =	shalt  }
0x84: {  	_ =	shalt  }
0x85: {  	_ =	shalt  }
0x86: {  	_ =	shalt  }
0x87: {  	_ =	shalt  }
.Lfunc_end0:
.L_simem_size_0:
called_computation.1_lowered:
.L_overlay_start_0:
0x88: {  	s2 =	sld [smem:$0x3FD9]  }
0x89: {  	s3 =	sld [smem:$0x3FFE];
	_ =	sdelay $0x1  }
0x8a: {  	s1 =	srdreg.scid  }
0x8b: {  	s0 =	sand.u32 $0x1, s1  }
0x8c: {  	s17 =	sshll.u32 s0, $0xA;
	s2 =	sadd.s32 s3, s2  }
0x8d: {  	s2 =	sadd.s32 s2, s17  }
0x8e: {  	[smem:$0x3FC6] =	sst s2  }
0x8f: {  	_ = 	snop  }
0x90: {  	s2 =	sld [smem:$0x3FD0];
	(tm) =	ssettm $0x1  }
0x91: {  	s18 =	sld [smem:$0x3FFB];
	_ =	sdelay $0x3  }
0x92: {  	_ =	strace s18  }
0x93: {  	s3 =	sld [smem:$0x3FFC];
	_ =	sdelay $0x3  }
0x94: {  	_ =	strace s3  }
0x95: {  	s3 =	sld [smem:$0x3FFD];
	_ =	sdelay $0x3  }
0x96: {  	_ =	strace s3  }
0x97: {  	_ =	strace $0x8FFFFFFF  }
0x98: {  	s19 =	sld [smem:$0x3FDB];
	_ =	sdelay $0x1  }
0x99: {  	s4 =	simm.s32 $_scs_section_size  }
0x9a: {  	s5 =	simm.s32 $_size__tile_overlayer_lowered;
	s6 =	simm.s32 $_tile_overlayer_lowered  }
0x9b: {  	s22 =	simm.s32 $0x1BFF;
	s21 =	sshll.u32 s6, $0x1;
	s3 =	sadd.s32 s4, s19  }
0x9c: {  	s7 =	simm.s32 $0x0;
	s20 =	sshll.u32 s5, $0x1;
	s5 =	sadd.s32 s21, s3  }
0x9d: {  	[timem:s7], [sflag:s22] =	dma.local [hbm:s5], s20  }
0x9e: {  	_ =	swait.ge [sflag:s22], s20  }
0x9f: {  	s4 =	ssub.s32 $0x0, s20;
	[sflag:s22] =	ssyncset.done $0x0  }
0xa0: {  	[sflag:s22] =	ssyncadd.s32 s4;
	_ =	sdelay $0x1  }
0xa1: {  	s23 =	simm.s32 $0x1B8B  }
0xa2: {  	_ =	swait.ge [sflag:s23], $0x1  }
0xa3: {  	[sflag:s23] =	ssyncset.done $0x0  }
0xa4: {  	s25 =	simm.s32 $0x1B8E;
	s24 =	sld [smem:$0x3FFE];
	[sflag:s23] =	ssyncadd.s32 $0xFFFFFFFF  }
0xa5: {  	s26 =	simm.s32 $execute0_lowered;
	[smem:$0x3FD2] =	sst s25  }
0xa6: {  	s5 =	sshll.u32 s26, $0x1;
	_ =	strace $0x80000046;
	[dreg:$0x1] =	wrdreg $0xFFFFFFFF  }
0xa7: {  	s28 =	simm.s32 $_size_execute0_lowered;
	s3 =	sadd.s32 s3, s5;
	[dreg:$0x0] =	wrdreg $0x0  }
0xa8: {  	s5 =	sshll.u32 s28, $0x1;
	[dreg:$0x2] =	wrdreg s3  }
0xa9: {  	[dreg:$0x3] =	wrdreg s5  }
0xaa: {  	[dreg:$0x4] =	wrdreg $0xC0  }
0xab: {  	_ =	task [dreg:s7], $0x5FFFF  }
0xac: {  	[dreg:$0x1] =	wrdreg $0xFFFFFFFF  }
0xad: {  	[dreg:$0x0] =	wrdreg $0x60  }
0xae: {  	[dreg:$0x2] =	wrdreg s24  }
0xaf: {  	[dreg:$0x3] =	wrdreg s2  }
0xb0: {  	[dreg:$0x4] =	wrdreg $0x9  }
0xb1: {  	_ =	task.clear_ibuf [dreg:s7], $0x5FFFF;
	_ =	strace $0x90000046  }
0xb2: {  	s29 =	simm.s32 $0x9;
	_ =	strace $0x80000048  }
0xb3: {  	_ =	swait.ge [sflag:s29], $0x1  }
0xb4: {  	[sflag:s29] =	ssyncadd.s32 $0xFFFFFFFF  }
0xb5: {  	_ =	strace $0x90000048  }
0xb6: {  	_ =	sfence  }
0xb7: {  	s30 =	sld [smem:$0x0];
	_ =	sdelay $0x2  }
0xb8: {  	s31 =	sshll.u32 s1, $0xD;
	s1 =	sshrl.u32 s1, $0x2  }
0xb9: {  	s3 =	sand.u32 $0x4000, s31;
	s1 =	sadd.s32 s1, s30  }
0xba: {  	s0 =	sor.u32 s3, s0;
	s1 =	sshll.u32 s1, $0x11  }
0xbb: {  	s0 =	sor.u32 s1, s0  }
0xbc: {  	s0 =	sadd.s32 $0x8F2B, s0  }
0xbd: {  	[sflag:s0] =	ssyncadd.remote.s32 $0x1  }
0xbe: {  	_ =	sfence.sel $0xFFFF  }
0xbf: {  	[dreg:$0x0] =	wrdreg $0xFFFFFFFF;
	(pc) =	sbr.abs _section_cstart, $3  }
0xc0: {  	[dreg:$0x1] =	wrdreg $0xFFFFFFFF  }
0xc1: {  	_ =	task.clear_ibuf [dreg:s7], $0x2FFFF;
	_ =	strace $0x9FFFFFFF  }
0xc2: {  	(tm) =	ssettm $0x7FFFFFFF  }
0xc3: {  	_ =	shalt  }
tec
execute0_lowered:
.L_overlay_start_1:
0x0: {  	(tag) =	ssettag $0x1  }
0x1: {  	s0 =	rddreg [dreg:$0x0]  }
0x2: {  	s2 =	rddreg [dreg:$0x1];
	s3 =	simm.s32 $0x0  }
0x3: {  	s1 =	srdreg.scid;
	s12 =	stileid.u32;
	s28 =	simm.s32 $0x9920  }
0x4: {  	s29 =	simm.s32 $0x5;
	s30 =	simm.s32 $0x7;
	s19 =	smul.u32 $0x32000, s12  }
0x5: {  	s31 =	simm.s32 $0x8;
	s1 =	sand.u32 $0x1, s1;
	s25 =	smul.u32 $0x190000, s12  }
0x6: {  	[smem:$0x7FF] =	sst s3;
	s4 =	sshll.u32 s12, $0x1;
	s11 =	smul.u32 $0x19000, s1  }
0x7: {  	s5 =	sor.u32 s1, s4;
	s6 =	ssub.s32 $0x2, s1;
	s1 =	smul.u32 $0xC8000, s1  }
0x8: {  	s7 =	sadd.s32 $0x800, s0;
	_ =	strace $0x80000047;
	s8 =	smul.u32 $0x19000, s5  }
0x9: {  	s4 =	sadd.s32 $0x64800, s0;
	s17 =	sshrl.u32 s6, $0x1;
	s9 =	smul.u32 $0xC8000, s5  }
0xa: {  	s5 =	sshll.u32 s5, $0x9;
	s0 =	ssub.s32 s6, s17;
	s18 =	sshrl.u32 s8, $0x3  }
0xb: {  	s9 =	sadd.s32 s9, s2;
	s8 =	sadd.s32 s11, s19;
	s0 =	smax.u32 s0, $0x1  }
0xc: {  	s19 =	simm.s32 $0x190;
	s6 =	sadd.s32 s7, s18;
	s21 =	sadd.s32 $0xC79C0, s9  }
0xd: {  	s22 =	sor.u32 $0x578, s8;
	s11 =	sor.u32 $0x4B0, s8;
	[dreg:$0x8] =	wrdreg s0  }
0xe: {  	s26 =	sor.u32 $0x3E8, s8;
	s8 =	sor.u32 $0x320, s8;
	s0 =	sadd.s32 s25, s2  }
0xf: {  	s18 =	simm.s32 $0xC8;
	s25 =	simm.s32 $0x6720;
	s10 =	sadd.s32 $0x19, s6  }
0x10: {  	s20 =	sadd.s32 $0x32, s6;
	[dreg:$0x3] =	wrdreg s6;
	s6 =	sadd.s32 $0x4B, s6  }
0x11: {  	[dreg:$0x7] =	wrdreg s21;
	s23 =	sshrl.u32 s22, $0x3;
	s24 =	sshrl.u32 s11, $0x3  }
0x12: {  	s8 =	sshrl.u32 s8, $0x3;
	s0 =	sadd.s32 s1, s0;
	[dreg:$0x4] =	wrdreg s10  }
0x13: {  	s22 =	simm.s32 $0x320;
	s1 =	simm.s32 $0xA;
	[dreg:$0x5] =	wrdreg s20  }
.Ltmp0:
0x14: {  	[dreg:$0x6] =	wrdreg s6;
	s10 =	sadd.s32 $0xC6D40, s9;
	(pc) =	sbr.rel .LBB2_1-.Ltmp0, $4  }
0x15: {  	s13 =	sadd.s32 s23, s7;
	s14 =	sadd.s32 s24, s7;
	s9 =	sshrl.u32 s26, $0x3  }
0x16: {  	s16 =	sadd.s32 s8, s7;
	[dreg:$0x9] =	wrdreg s0;
	s20 =	simm.s32 $0x258  }
0x17: {  	s24 =	simm.s32 $0x3;
	s26 =	simm.s32 $0x4;
	s23 =	simm.s32 $0xB  }
0x18: {  	s8 =	simm.s32 $0x0;
	s15 =	sadd.s32 s9, s7;
	s7 =	simm.s32 $0xC  }
.LBB2_4:
0x19: {  	_ =	swait.ge [sflag:s31], $0x3200  }
0x1a: {  	[sflag:s31] =	ssyncset.done $0x0  }
0x1b: {  	s17 =	simm.s32 $0x9;
	s0 =	rddreg [dreg:$0x7];
	[sflag:s31] =	ssyncadd.s32 $0xFFFFCE00  }
0x1c: {  	[hbm4b:s0+s3] =	stream.linear.scatter [tilespmem:s28], [sflag:$0xC], $0x3200, $0x38;
	[tilespmem:$0xCB20] =	vst v63  }
0x1d: {  	_ =	swait.ge [sflag:s17], $0x3200  }
0x1e: {  	[sflag:s17] =	ssyncset.done $0x0  }
0x1f: {  	[sflag:s17] =	ssyncadd.s32 $0xFFFFCE00  }
0x20: {  	_ =	swait.ge [sflag:s1], $0x3200  }
0x21: {  	[sflag:s1] =	ssyncset.done $0x0  }
0x22: {  	[sflag:s1] =	ssyncadd.s32 $0xFFFFCE00  }
0x23: {  	_ =	swait.ge [sflag:s23], $0x3200  }
0x24: {  	[sflag:s23] =	ssyncset.done $0x0  }
0x25: {  	[sflag:s23] =	ssyncadd.s32 $0xFFFFCE00  }
0x26: {  	_ =	swait.ge [sflag:s7], $0x3200  }
0x27: {  	s8 =	sadd.s32 $0x1, s8;
	s21 =	rddreg [dreg:$0x8]  }
0x28: {  	p0 =	sne.s32 s8, s21  }
.Ltmp1:
0x29: {  	_ = 	snop;
	(pc) =	sbr.rel @!p0 .LBB2_5-.Ltmp1, $3  }
0x2a: {  	_ =	sdelay $0x1  }
0x2b: {  	[sflag:s7] =	ssyncset.done $0x0  }
0x2c: {  	[sflag:s7] =	ssyncadd.s32 $0xFFFFCE00  }
.LBB2_1:
0x2d: {  	s0 =	rddreg [dreg:$0x3]  }
0x2e: {  	[tilespmem:s3], [sflag:$0x1] =	stream.linear.gather [hbm4b:s0+s3], $0xC8, $0x38;
	[tilespmem:$0xCB20] =	vst v63  }
0x2f: {  	s9 =	rddreg [dreg:$0x4]  }
0x30: {  	[tilespmem:s18], [sflag:$0x2] =	stream.linear.gather [hbm4b:s9+s3], $0xC8, $0x38;
	[tilespmem:$0xCB20] =	vst v63  }
0x31: {  	s11 =	rddreg [dreg:$0x5]  }
0x32: {  	[tilespmem:s19], [sflag:$0x3] =	stream.linear.gather [hbm4b:s11+s3], $0xC8, $0x38;
	[tilespmem:$0xCB20] =	vst v63  }
0x33: {  	s12 =	rddreg [dreg:$0x6];
	s17 =	simm.s32 $0x1  }
0x34: {  	[tilespmem:s20], [sflag:$0x4] =	stream.linear.gather [hbm4b:s12+s3], $0xC8, $0x38;
	[tilespmem:$0xCB20] =	vst v63  }
0x35: {  	_ =	swait.ge [sflag:s17], $0xC8  }
0x36: {  	[sflag:s17] =	ssyncset.done $0x0  }
0x37: {  	s9 =	simm.s32 $0x2;
	[sflag:s17] =	ssyncadd.s32 $0xFFFFFF38  }
0x38: {  	[tilespmem:s22], [sflag:$0x5] =	stream.indirect.gather [hbm4b:s4+s18], $0x40, s3, s18, $0xb8;
	[tilespmem:$0xCB20] =	vst v63  }
0x39: {  	_ =	swait.ge [sflag:s9], $0xC8  }
0x3a: {  	[sflag:s9] =	ssyncset.done $0x0  }
0x3b: {  	s21 =	simm.s32 $0x3520;
	[sflag:s9] =	ssyncadd.s32 $0xFFFFFF38  }
0x3c: {  	[tilespmem:s21], [sflag:$0x6] =	stream.indirect.gather [hbm4b:s4+s18], $0x40, s18, s18, $0xb8;
	[tilespmem:$0xCB20] =	vst v63  }
0x3d: {  	_ =	swait.ge [sflag:s24], $0xC8  }
0x3e: {  	[sflag:s24] =	ssyncset.done $0x0  }
0x3f: {  	s12 =	simm.s32 $0x0;
	s17 =	rddreg [dreg:$0x9];
	[sflag:s24] =	ssyncadd.s32 $0xFFFFFF38  }
0x40: {  	[tilespmem:s25], [sflag:$0x7] =	stream.indirect.gather [hbm4b:s4+s18], $0x40, s19, s18, $0xb8;
	[tilespmem:$0xCB20] =	vst v63  }
.LBB2_2:
0x41: {  	p0 =	seq.s32 s12, $0x0  }
0x42: {  	s6 =	simm.s32 @!p0 $0xC  }
0x43: {  	_ =	swait.ge @!p0 [sflag:s6], $0x3200  }
0x44: {  	[sflag:s6] =	ssyncset.done @!p0 $0x0  }
0x45: {  	[sflag:s6] =	ssyncadd.s32 @!p0 $0xFFFFCE00  }
0x46: {  	_ =	swait.ge [sflag:s26], $0xC8  }
0x47: {  	[sflag:s26] =	ssyncset.done $0x0  }
0x48: {  	[sflag:s26] =	ssyncadd.s32 $0xFFFFFF38  }
0x49: {  	[tilespmem:s28], [sflag:$0x8] =	stream.indirect.gather [hbm4b:s4+s18], $0x40, s20, s18, $0xb8;
	[tilespmem:$0xCB20] =	vst v63  }
0x4a: {  	_ =	swait.ge [sflag:s29], $0x3200  }
0x4b: {  	p0 =	seq.s32 s12, $0x319C;
	[sflag:s29] =	ssyncset.done $0x0  }
0x4c: {  	s6 =	simm.s32 @p0 $0x6;
	[sflag:s29] =	ssyncadd.s32 $0xFFFFCE00  }
0x4d: {  	[hbm4b:s17+s3] =	stream.linear.scatter [tilespmem:s22], [sflag:$0x9], $0x3200, $0x38;
	[tilespmem:$0xCB20] =	vst v63  }
0x4e: {  	_ =	swait.ge @p0 [sflag:s6], $0x3200  }
0x4f: {  	[sflag:s6] =	ssyncset.done @p0 $0x0  }
0x50: {  	s11 =	simm.s32 @p0 $0x3520;
	[sflag:s6] =	ssyncadd.s32 @p0 $0xFFFFCE00;
	s6 =	simm.s32 @p0 $0x0  }
0x51: {  	[hbm4b:s10+s6] =	stream.linear.scatter @p0 [tilespmem:s11], [sflag:$0xA], $0x3200, $0x38;
	[tilespmem:$0xCB20] =	vst v63  }
0x52: {  	s6 =	sadd.s32 @!p0 s12, s16;
	s11 =	simm.s32 @!p0 $0x0  }
0x53: {  	[tilespmem:s11], [sflag:$0x1] =	stream.linear.gather @!p0 [hbm4b:s6+s11], $0xC8, $0x38;
	[tilespmem:$0xCB20] =	vst v63  }
0x54: {  	s6 =	simm.s32 @!p0 $0x9  }
0x55: {  	_ =	swait.ge @!p0 [sflag:s6], $0x3200  }
0x56: {  	[sflag:s6] =	ssyncset.done @!p0 $0x0  }
0x57: {  	[sflag:s6] =	ssyncadd.s32 @!p0 $0xFFFFCE00;
	s6 =	simm.s32 @!p0 $0x1  }
0x58: {  	_ =	swait.ge @!p0 [sflag:s6], $0xC8  }
0x59: {  	[sflag:s6] =	ssyncset.done @!p0 $0x0  }
0x5a: {  	s21 =	simm.s32 @!p0 $0x320;
	[sflag:s6] =	ssyncadd.s32 @!p0 $0xFFFFFF38;
	s6 =	simm.s32 @!p0 $0xC8  }
0x5b: {  	[tilespmem:s21], [sflag:$0x5] =	stream.indirect.gather @!p0 [hbm4b:s4+s6], $0x40, s11, s6, $0xb8;
	[tilespmem:$0xCB20] =	vst v63  }
0x5c: {  	s21 =	simm.s32 @!p0 $0x6  }
0x5d: {  	_ =	swait.ge @!p0 [sflag:s21], $0x3200  }
0x5e: {  	[sflag:s21] =	ssyncset.done @!p0 $0x0  }
0x5f: {  	s0 =	simm.s32 @!p0 $0x3520;
	[sflag:s21] =	ssyncadd.s32 @!p0 $0xFFFFCE00;
	s21 =	sadd.s32 @!p0 $0x640, s17  }
0x60: {  	[hbm4b:s21+s11] =	stream.linear.scatter @!p0 [tilespmem:s0], [sflag:$0xA], $0x3200, $0x38;
	[tilespmem:$0xCB20] =	vst v63  }
0x61: {  	s21 =	sadd.s32 @!p0 s12, s15  }
0x62: {  	[tilespmem:s6], [sflag:$0x2] =	stream.linear.gather @!p0 [hbm4b:s21+s11], $0xC8, $0x38;
	[tilespmem:$0xCB20] =	vst v63  }
0x63: {  	s11 =	simm.s32 @!p0 $0xA  }
0x64: {  	_ =	swait.ge @!p0 [sflag:s11], $0x3200  }
0x65: {  	[sflag:s11] =	ssyncset.done @!p0 $0x0  }
0x66: {  	[sflag:s11] =	ssyncadd.s32 @!p0 $0xFFFFCE00;
	s11 =	simm.s32 @!p0 $0x2  }
0x67: {  	_ =	swait.ge @!p0 [sflag:s11], $0xC8  }
0x68: {  	[sflag:s11] =	ssyncset.done @!p0 $0x0  }
0x69: {  	[sflag:s11] =	ssyncadd.s32 @!p0 $0xFFFFFF38  }
0x6a: {  	[tilespmem:s0], [sflag:$0x6] =	stream.indirect.gather @!p0 [hbm4b:s4+s6], $0x40, s6, s6, $0xb8;
	[tilespmem:$0xCB20] =	vst v63  }
0x6b: {  	s0 =	smov.u32 s9  }
0x6c: {  	s0 =	simm.s32 @p0 $0x1FE  }
.Ltmp2:
0x6d: {  	s0 =	sadd.s32 s5, s0;
	(pc) =	sbr.rel @p0 .LBB2_4-.Ltmp2, $4  }
0x6e: {  	_ =	swait.ge [sflag:s30], $0x3200;
	s0 =	smul.u32 $0x640, s0  }
0x6f: {  	[sflag:s30] =	ssyncset.done $0x0  }
0x70: {  	[sflag:s30] =	ssyncadd.s32 $0xFFFFCE00;
	s0 =	sadd.s32 s2, s0  }
0x71: {  	[hbm4b:s0+s3] =	stream.linear.scatter [tilespmem:s25], [sflag:$0xB], $0x3200, $0x38;
	[tilespmem:$0xCB20] =	vst v63  }
0x72: {  	s0 =	sadd.s32 s12, s14  }
0x73: {  	[tilespmem:s19], [sflag:$0x3] =	stream.linear.gather [hbm4b:s0+s3], $0xC8, $0x38;
	[tilespmem:$0xCB20] =	vst v63  }
0x74: {  	_ =	swait.ge [sflag:s23], $0x3200  }
0x75: {  	[sflag:s23] =	ssyncset.done $0x0  }
0x76: {  	[sflag:s23] =	ssyncadd.s32 $0xFFFFCE00  }
0x77: {  	_ =	swait.ge [sflag:s24], $0xC8  }
0x78: {  	[sflag:s24] =	ssyncset.done $0x0  }
0x79: {  	[sflag:s24] =	ssyncadd.s32 $0xFFFFFF38  }
0x7a: {  	[tilespmem:s25], [sflag:$0x7] =	stream.indirect.gather [hbm4b:s4+s18], $0x40, s19, s18, $0xb8;
	[tilespmem:$0xCB20] =	vst v63  }
0x7b: {  	_ =	swait.ge [sflag:s31], $0x3200  }
.Ltmp3:
0x7c: {  	[sflag:s31] =	ssyncset.done $0x0;
	(pc) =	sbr.rel .LBB2_2-.Ltmp3, $4  }
0x7d: {  	s11 =	sadd.s32 $0x12C0, s17;
	s21 =	sadd.s32 s12, s13;
	[sflag:s31] =	ssyncadd.s32 $0xFFFFCE00  }
0x7e: {  	[hbm4b:s11+s3] =	stream.linear.scatter [tilespmem:s28], [sflag:$0xC], $0x3200, $0x38;
	[tilespmem:$0xCB20] =	vst v63  }
0x7f: {  	s12 =	sadd.s32 $0x64, s12;
	s17 =	sadd.s32 $0x1900, s17;
	s9 =	sadd.s32 $0x4, s9  }
0x80: {  	[tilespmem:s20], [sflag:$0x4] =	stream.linear.gather [hbm4b:s21+s3], $0xC8, $0x38;
	[tilespmem:$0xCB20] =	vst v63  }
.LBB2_5:
0x81: {  	_ =	sfence.sel $0x180000  }
0x82: {  	[bflag:$0x0] =	sbarrier.arrive $0xFFFF  }
0x83: {  	_ =	strace $0x90000047  }
0x84: {  	s0 =	stileid.u32;
	[bflag:$0x2] =	sbarrier.arrive $0xFFFF  }
0x85: {  	p0 =	sne.s32 s0, $0x0;
	s0 =	rddreg [dreg:$0x2]  }
0x86: {  	s0 =	sadd.s32 @!p0 $0x100000, s0  }
0x87: {  	[sflag:s0] =	ssyncadd.tile.s32 @!p0 $0x1;
	_ =	shalt  }
.Lfunc_end2:
_tile_overlayer_lowered:
.L_overlay_start_2:
0x88: {  	(tag) =	ssettag $0x2  }
0x89: {  	s0 =	rddreg [dreg:$0x0];
	s2 =	stileid.u32  }
0x8a: {  	s1 =	rddreg [dreg:$0x1];
	p0 =	sne.s32 s2, $0x0  }
0x8b: {  	s3 =	rddreg [dreg:$0x2];
	[bflag:$0x3] =	sbarrier.arrive $0xFFFF;
	s2 =	simm.s32 @!p0 $0x1C0D  }
0x8c: {  	[timem:s3], [sflag:s2] =	dma.local @!p0 [hbm:s0], s1  }
0x8d: {  	s0 =	simm.s32 @!p0 $0xD  }
0x8e: {  	_ =	swait.ge @!p0 [sflag:s0], s1  }
0x8f: {  	s1 =	ssub.s32 @!p0 $0x0, s1;
	[sflag:s0] =	ssyncset.done @!p0 $0x0  }
0x90: {  	[sflag:s0] =	ssyncadd.s32 @!p0 s1  }
0x91: {  	[bflag:$0x3] =	sbarrier.arrive $0xFFFF  }
0x92: {  	_ =	shalt  }

// kernel: sparse-core-data-format-call.cloned.1.call-start
scs
called_computation_lowered:
.L_overlay_start_0:
0x0: {  	s2 =	sld [smem:$0x3FD9]  }
0x1: {  	s3 =	sld [smem:$0x3FFE];
	_ =	sdelay $0x1  }
0x2: {  	s1 =	srdreg.scid  }
0x3: {  	s0 =	sand.u32 $0x1, s1  }
0x4: {  	s18 =	sshll.u32 s0, $0xA;
	s2 =	sadd.s32 s3, s2  }
0x5: {  	s2 =	sadd.s32 s2, s18  }
0x6: {  	[smem:$0x3FC6] =	sst s2  }
0x7: {  	_ = 	snop  }
0x8: {  	s2 =	sld [smem:$0x3FD0];
	(tm) =	ssettm $0x1  }
0x9: {  	s19 =	sld [smem:$0x3FFB];
	_ =	sdelay $0x3  }
0xa: {  	_ =	strace s19  }
0xb: {  	s3 =	sld [smem:$0x3FFC];
	_ =	sdelay $0x3  }
0xc: {  	_ =	strace s3  }
0xd: {  	s3 =	sld [smem:$0x3FFD];
	_ =	sdelay $0x3  }
0xe: {  	_ =	strace s3  }
0xf: {  	_ =	strace $0x8FFFFFFF  }
0x10: {  	s20 =	sld [smem:$0x3FDB];
	_ =	sdelay $0x1  }
0x11: {  	s4 =	simm.s32 $_scs_section_size  }
0x12: {  	s5 =	simm.s32 $_size__tile_overlayer_lowered;
	s6 =	simm.s32 $_tile_overlayer_lowered  }
0x13: {  	s23 =	simm.s32 $0x1BFF;
	s22 =	sshll.u32 s6, $0x1;
	s3 =	sadd.s32 s4, s20  }
0x14: {  	s7 =	simm.s32 $0x0;
	s21 =	sshll.u32 s5, $0x1;
	s5 =	sadd.s32 s22, s3  }
0x15: {  	[timem:s7], [sflag:s23] =	dma.local [hbm:s5], s21  }
0x16: {  	_ =	swait.ge [sflag:s23], s21  }
0x17: {  	s4 =	ssub.s32 $0x0, s21;
	[sflag:s23] =	ssyncset.done $0x0  }
0x18: {  	[sflag:s23] =	ssyncadd.s32 s4;
	_ =	sdelay $0x1  }
0x19: {  	s24 =	simm.s32 $0x1B8B  }
0x1a: {  	_ =	swait.ge [sflag:s24], $0x1  }
0x1b: {  	[sflag:s24] =	ssyncset.done $0x0  }
0x1c: {  	s26 =	simm.s32 $0x1B8E;
	s25 =	sld [smem:$0x3FFE];
	[sflag:s24] =	ssyncadd.s32 $0xFFFFFFFF  }
0x1d: {  	s27 =	simm.s32 $execute0_lowered;
	[smem:$0x3FD2] =	sst s26  }
0x1e: {  	s5 =	sshll.u32 s27, $0x1;
	_ =	strace $0x80000049;
	[dreg:$0x1] =	wrdreg $0xFFFFFFFF  }
0x1f: {  	s28 =	simm.s32 $_size_execute0_lowered;
	s3 =	sadd.s32 s3, s5;
	[dreg:$0x0] =	wrdreg $0x0  }
0x20: {  	s5 =	sshll.u32 s28, $0x1;
	[dreg:$0x2] =	wrdreg s3  }
0x21: {  	[dreg:$0x3] =	wrdreg s5  }
0x22: {  	[dreg:$0x4] =	wrdreg $0xC0  }
0x23: {  	_ =	task [dreg:s7], $0x5FFFF  }
0x24: {  	[dreg:$0x1] =	wrdreg $0xFFFFFFFF  }
0x25: {  	[dreg:$0x0] =	wrdreg $0x60  }
0x26: {  	[dreg:$0x2] =	wrdreg s25  }
0x27: {  	[dreg:$0x3] =	wrdreg s2  }
0x28: {  	[dreg:$0x4] =	wrdreg $0x9  }
0x29: {  	_ =	task.clear_ibuf [dreg:s7], $0x5FFFF;
	_ =	strace $0x90000049  }
0x2a: {  	s29 =	simm.s32 $0x9;
	_ =	strace $0x8000004B  }
0x2b: {  	_ =	swait.ge [sflag:s29], $0x1  }
0x2c: {  	[sflag:s29] =	ssyncadd.s32 $0xFFFFFFFF  }
0x2d: {  	_ =	strace $0x9000004B  }
0x2e: {  	_ =	sfence  }
0x2f: {  	s30 =	sld [smem:$0x0];
	_ =	sdelay $0x2  }
0x30: {  	s31 =	sshll.u32 s1, $0xD;
	s1 =	sshrl.u32 s1, $0x2  }
0x31: {  	s3 =	sand.u32 $0x4000, s31;
	s1 =	sadd.s32 s1, s30  }
0x32: {  	s0 =	sor.u32 s3, s0;
	s1 =	sshll.u32 s1, $0x11  }
0x33: {  	s0 =	sor.u32 s1, s0  }
0x34: {  	s0 =	sadd.s32 $0x8F2B, s0  }
0x35: {  	[sflag:s0] =	ssyncadd.remote.s32 $0x1  }
0x36: {  	_ =	sfence.sel $0xFFFF  }
0x37: {  	[dreg:$0x0] =	wrdreg $0xFFFFFFFF;
	(pc) =	sbr.abs _section_cstart, $3  }
0x38: {  	[dreg:$0x1] =	wrdreg $0xFFFFFFFF  }
0x39: {  	_ =	task.clear_ibuf [dreg:s7], $0x2FFFF;
	_ =	strace $0x9FFFFFFF  }
0x3a: {  	(tm) =	ssettm $0x7FFFFFFF  }
0x3b: {  	_ =	shalt  }
tec
execute0_lowered:
.L_overlay_start_1:
0x0: {  	(tag) =	ssettag $0x1  }
0x1: {  	s0 =	srdreg.scid  }
0x2: {  	s1 =	sshll.u32 s0, $0x4  }
0x3: {  	s0 =	stileid.u32;
	s1 =	sand.u32 $0x10, s1  }
0x4: {  	s1 =	sor.u32 s0, s1  }
0x5: {  	s6 =	rddreg [dreg:$0x0];
	s4 =	simm.s32 $0x1;
	s2 =	sshll.u32 s1, $0x7  }
0x6: {  	s7 =	simm.s32 $0x2;
	s12 =	simm.s32 $0x0;
	s1 =	ssub.s32 $0x4000, s2  }
0x7: {  	s8 =	simm.s32 $0x20000;
	s13 =	simm.s32 $0x0;
	s3 =	sand.u32 $0xF80, s1  }
0x8: {  	s9 =	simm.s32 $0x0;
	s5 =	sshrl.u32 s1, $0xC;
	p0 =	sne.s32 s3, $0x0  }
.Ltmp0:
0x9: {  	s1 =	rddreg [dreg:$0x2];
	s4 =	simm.s32 @!p0 $0x0;
	(pc) =	sbr.rel .LBB1_1-.Ltmp0, $4  }
0xa: {  	s11 =	simm.s32 $0x0;
	s3 =	rddreg [dreg:$0x1];
	s5 =	sadd.s32 s4, s5  }
0xb: {  	_ =	strace $0x8000004A;
	s4 =	simm.s32 $0x1;
	s5 =	smul.u32 $0xC8, s5  }
0xc: {  	s6 =	sadd.s32 $0x800, s6;
	s10 =	smov.u32 s2;
	[sflag:s4] =	ssyncpa.u1 $0x0  }
0xd: {  	p0 =	por $0x0, $0x0;
	[sflag:s7] =	ssyncpa.u1 $0x0;
	s7 =	sor.u32 $0x1, s5  }
.LBB1_4:
0xe: {  	s16 =	sshll.u32 s13, $0x3;
	s17 =	sand.u32 $0x78, s13  }
0xf: {  	s30 =	sand.u32 $0x1F800, s13;
	s12 =	sshll.u32 s12, $0x11;
	s16 =	sand.u32 $0x3C00, s16  }
0x10: {  	[tilespmem:s15+$0x810 ss:$0x81] =	vst.msk $0xffff, v2;
	s31 =	sand.u32 $0x7, s13;
	s16 =	sor.u32 s17, s16;
	s17 =	sadd.s32 s3, s30  }
0x11: {  	[tilespmem:s15+$0x1020 ss:$0x81] =	vst.msk $0xffff, v0;
	s13 =	sshll.u32 s31, $0x12;
	s12 =	sadd.s32 s12, s17;
	s16 =	sshrl.u32 s16, $0x3  }
0x12: {  	[tilespmem:s15+$0x0 ss:$0x81] =	vst.msk $0xffff, v1;
	s13 =	sor.u32 $0x400, s13;
	s12 =	sadd.s32 s16, s12  }
0x13: {  	[hbm4b:s12+s13] =	stream.strided.scatter [tilespmem:s14], [sflag:$0x2], $0x2000, s8, s13, $0x20;
	[tilespmem:$0x8080] =	vst v63  }
.LBB1_5:
0x14: {  	s14 =	sadd.s32 $0x1, s9  }
0x15: {  	s12 =	sadd.s32 $0x1000, s10;
	s16 =	smov.u32 s10;
	p2 =	sgt.s32 s14, $0xC7  }
0x16: {  	s16 =	smov.u32 @p2 s12  }
0x17: {  	s14 =	simm.s32 @p2 $0x0;
	p2 =	sgt.s32 s16, $0x3FFF  }
0x18: {  	s16 =	smov.u32 @p2 s2;
	p2 =	sne.s32 s11, s7  }
.Ltmp1:
0x19: {  	p1 =	slt.u32 s11, $0x2;
	(pc) =	sbr.rel @!p2 .LBB1_6-.Ltmp1, $4  }
0x1a: {  	s15 =	simm.s32 @!p1 $0x2  }
0x1b: {  	s13 =	smov.u32 s10;
	p0 =	por !p0, !p0;
	_ =	swait.ge @!p1 [sflag:s15], $0x2000  }
0x1c: {  	s12 =	smov.u32 s9;
	[sflag:s15] =	ssyncset.done @!p1 $0x0;
	s9 =	smov.u32 s14  }
0x1d: {  	s11 =	sadd.s32 $0x1, s11;
	[sflag:s15] =	ssyncadd.s32 @!p1 $0xFFFFE000;
	s10 =	smov.u32 s16  }
.LBB1_1:
0x1e: {  	p1 =	sge.u32 s11, s5  }
0x1f: {  	s14 =	sand.u32 @!p1 $0x1FFFFFF, s9  }
0x20: {  	s15 =	smulhi.u32 @!p1 $0x147AE15, s14;
	_ =	sdelay $0x1  }
0x21: {  	s15 =	smul.u32 @!p1 $0xC8, s15  }
0x22: {  	s16 =	sxor.u32 @!p1 $0xFFFFFFFF, s11;
	s17 =	smul.u32 @!p1 $0xC80, s10  }
0x23: {  	s31 =	sadd.s32 $0xFFFFFFFF, s11;
	s16 =	sshll.u32 @!p1 s16, $0xD;
	s14 =	ssub.s32 @!p1 s14, s15  }
0x24: {  	s15 =	sand.u32 @!p1 $0x2000, s16;
	s16 =	sadd.s32 @!p1 s6, s17;
	s14 =	sshll.u32 @!p1 s14, $0x4  }
0x25: {  	s17 =	simm.s32 @!p1 $0x6400;
	s14 =	sadd.s32 @!p1 s14, s16;
	s16 =	simm.s32 @!p1 $0x40  }
0x26: {  	[tilespmem:s15], [sflag:$0x1] =	stream.strided.gather @!p1 [hbm4b:s14+s16], $0x2000, s17, s16, $0x38;
	[tilespmem:$0x8080] =	vst v63  }
0x27: {  	p1 =	sge.u32 s31, s5  }
.Ltmp2:
0x28: {  	_ = 	snop;
	(pc) =	sbr.rel @p1 .LBB1_5-.Ltmp2, $1  }
0x29: {  	_ =	sdelay $0x3  }
0x2a: {  	s14 =	simm.s32 $0x1  }
0x2b: {  	_ =	swait.ge [sflag:s4], $0x2000;
	s14 =	simm.s32 @!p0 $0x0  }
0x2c: {  	[sflag:s4] =	ssyncset.done $0x0;
	s15 =	sshll.u32 s14, $0xD  }
0x2d: {  	[sflag:s4] =	ssyncadd.s32 $0xFFFFE000;
	s18 =	sor.u32 $0x20, s15  }
0x2e: {  	s14 =	smul.u32 $0x8100, s14;
	v3 =	vld [tilespmem:s18+$0x10]  }
0x2f: {  	s30 =	sand.u32 $0x1, s11;
	v2 =	vld [tilespmem:s18+$0xFFFFFFF0]  }
0x30: {  	s15 =	smul.u32 $0x8100, s30;
	s14 =	sshrl.u32 s14, $0x2;
	v0 =	vld [tilespmem:s18+$0x0]  }
0x31: {  	v1 =	vld [tilespmem:s18+$0xFFFFFFE0];
	s16 =	sor.u32 $0x4000, s14  }
0x32: {  	s31 =	sshrl.u32 s15, $0x2;
	s15 =	sadd.s32 $0x0, s16  }
0x33: {  	s17 =	simm.s32 $0x4;
	s18 =	sadd.s32 $0x40, s18;
	s14 =	sor.u32 $0x4000, s31;
	[tilespmem:s15+$0x1830 ss:$0x81] =	vst.msk $0xffff, v3  }
.LBB1_3:
0x34: {  	v3 =	vld [tilespmem:s18+$0x10];
	p1 =	sne.s32 s17, $0x1FC;
	[tilespmem:s15+$0x810 ss:$0x81] =	vst.msk $0xffff, v2;
	s19 =	smov.u32 s17;
	s17 =	sadd.s32 $0x4, s17  }
.Ltmp3:
0x35: {  	v2 =	vld [tilespmem:s18+$0xFFFFFFF0];
	[tilespmem:s15+$0x1020 ss:$0x81] =	vst.msk $0xffff, v0;
	(pc) =	sbr.rel @p1 .LBB1_3-.Ltmp3, $4  }
0x36: {  	v0 =	vld [tilespmem:s18+$0x0];
	[tilespmem:s15+$0x0 ss:$0x81] =	vst.msk $0xffff, v1  }
0x37: {  	s15 =	sshra.s32 s19, $0x2;
	v1 =	vld [tilespmem:s18+$0xFFFFFFE0]  }
0x38: {  	s15 =	sadd.s32 s15, s16  }
0x39: {  	s18 =	sadd.s32 $0x40, s18;
	[tilespmem:s15+$0x1830 ss:$0x81] =	vst.msk $0xffff, v3  }
.Ltmp4:
0x3a: {  	_ = 	snop;
	(pc) =	sbr.rel .LBB1_4-.Ltmp4, $1  }
0x3b: {  	_ =	sdelay $0x3  }
.LBB1_6:
0x3c: {  	_ =	sfence.sel $0x180000  }
0x3d: {  	s2 =	simm.s32 $0x1;
	[bflag:$0x0] =	sbarrier.arrive $0xFFFF  }
0x3e: {  	s31 =	simm.s32 $0x2;
	[sflag:s2] =	ssyncpa.u1 $0x1  }
0x3f: {  	[sflag:s31] =	ssyncpa.u1 $0x1  }
0x40: {  	p0 =	sne.s32 s0, $0x0;
	_ =	strace $0x9000004A  }
0x41: {  	s0 =	sadd.s32 @!p0 $0x100000, s1;
	[bflag:$0x2] =	sbarrier.arrive $0xFFFF  }
0x42: {  	[sflag:s0] =	ssyncadd.tile.s32 @!p0 $0x1;
	_ =	shalt  }
.Lfunc_end1:
_tile_overlayer_lowered:
.L_overlay_start_2:
0x43: {  	(tag) =	ssettag $0x2  }
0x44: {  	s0 =	rddreg [dreg:$0x0];
	s2 =	stileid.u32  }
0x45: {  	s1 =	rddreg [dreg:$0x1];
	p0 =	sne.s32 s2, $0x0  }
0x46: {  	s3 =	rddreg [dreg:$0x2];
	[bflag:$0x3] =	sbarrier.arrive $0xFFFF;
	s2 =	simm.s32 @!p0 $0x1C01  }
0x47: {  	[timem:s3], [sflag:s2] =	dma.local @!p0 [hbm:s0], s1  }
0x48: {  	s0 =	simm.s32 @!p0 $0x1  }
0x49: {  	_ =	swait.ge @!p0 [sflag:s0], s1  }
0x4a: {  	s1 =	ssub.s32 @!p0 $0x0, s1;
	[sflag:s0] =	ssyncset.done @!p0 $0x0  }
0x4b: {  	[sflag:s0] =	ssyncadd.s32 @!p0 s1  }
0x4c: {  	[bflag:$0x3] =	sbarrier.arrive $0xFFFF  }
0x4d: {  	_ =	shalt  }

</sc_bundles>
